<compile_context>
chip_gen: v7x
topology: tpu7x:2x2x1
jax: 0.10.2.dev20260603
libtpu: 0.0.44.dev20260713+nightly
codegen_flags: <defaults>
</compile_context>

<pallas_src>
import dataclasses

import jax
import jax.numpy as jnp
from jax import lax
from jax.experimental import pallas as pl
from jax.experimental.pallas import tpu as pltpu
from jax.experimental.pallas import tpu_sc as plsc

N = 4_000_000
NUM_IMGS = 5000
L = 16
NW = 32
C = 4096
GROUPS = N // L
G_BASE = GROUPS // NW
G_REM = GROUPS - G_BASE * NW
MAX_COUNT = (G_BASE + 1) * L
CHUNKS = (MAX_COUNT + C - 1) // C + 1


def _body(imgidx_hbm, ptidx_hbm, consts_hbm, ext_hbm,
          xs_hbm, ys_hbm, zs_hbm, ou_hbm, ov_hbm,
          ext_v, consts_v,
          idx_img_v0, idx_pt_v0, xg_v0, yg_v0, zg_v0,
          idx_img_v1, idx_pt_v1, xg_v1, yg_v1, zg_v1,
          ou_v, ov_v, sem0, sem1):
    cid = lax.axis_index("c")
    sid = lax.axis_index("s")
    wid = sid * 2 + cid

    pltpu.sync_copy(ext_hbm, ext_v)
    pltpu.sync_copy(consts_hbm, consts_v)
    fvec = consts_v[pl.ds(0, L)]
    ppx = consts_v[pl.ds(L, L)]
    ppy = consts_v[pl.ds(2 * L, L)]

    count_g = G_BASE + jnp.where(wid < G_REM, 1, 0)
    start = (wid * G_BASE + jnp.minimum(wid, G_REM)) * L
    end = start + count_g * L

    iota = lax.iota(jnp.int32, L)
    sets = ((idx_img_v0, idx_pt_v0, xg_v0, yg_v0, zg_v0, sem0),
            (idx_img_v1, idx_pt_v1, xg_v1, yg_v1, zg_v1, sem1))

    def chunk_st(i):
        return pl.multiple_of(jnp.minimum(start + i * C, end - C), L)

    def load_chunk(i, s):
        idx_img, idx_pt, xg, yg, zg, sem = s
        st = chunk_st(i)
        pltpu.sync_copy(imgidx_hbm.at[pl.ds(st, C)], idx_img)
        pltpu.sync_copy(ptidx_hbm.at[pl.ds(st, C)], idx_pt)
        pltpu.async_copy(xs_hbm.at[idx_pt], xg, sem)
        pltpu.async_copy(ys_hbm.at[idx_pt], yg, sem)
        pltpu.async_copy(zs_hbm.at[idx_pt], zg, sem)

    def wait_chunk(s):
        idx_img, idx_pt, xg, yg, zg, sem = s
        pltpu.make_async_copy(xs_hbm.at[idx_pt], xg, sem).wait()
        pltpu.make_async_copy(ys_hbm.at[idx_pt], yg, sem).wait()
        pltpu.make_async_copy(zs_hbm.at[idx_pt], zg, sem).wait()

    def compute_chunk(i, s):
        idx_img, idx_pt, xg_v, yg_v, zg_v, sem = s
        st = chunk_st(i)

        @pl.loop(0, C // L)
        def _group(g):
            b = pl.multiple_of(g * L, L)
            row = iota + b
            e = idx_img[pl.ds(b, L)] * 7
            qw = plsc.load_gather(ext_v, [e])
            qx = plsc.load_gather(ext_v, [e + 1])
            qy = plsc.load_gather(ext_v, [e + 2])
            qz = plsc.load_gather(ext_v, [e + 3])
            tx = plsc.load_gather(ext_v, [e + 4])
            ty = plsc.load_gather(ext_v, [e + 5])
            tz = plsc.load_gather(ext_v, [e + 6])
            px = xg_v[pl.ds(b, L)]
            py = yg_v[pl.ds(b, L)]
            pz = zg_v[pl.ds(b, L)]
            ax = qy * pz - qz * py
            ay = qz * px - qx * pz
            az = qx * py - qy * px
            bx = ax + qw * px
            by = ay + qw * py
            bz = az + qw * pz
            cx = qy * bz - qz * by
            cy = qz * bx - qx * bz
            cz = qx * by - qy * bx
            pcx = px + cx + cx + tx
            pcy = py + cy + cy + ty
            pcz = pz + cz + cz + tz
            d = fvec / pcz
            plsc.store_scatter(ou_v, [row], pcx * d + ppx)
            plsc.store_scatter(ov_v, [row], pcy * d + ppy)

        pltpu.sync_copy(ou_v, ou_hbm.at[pl.ds(st, C)])
        pltpu.sync_copy(ov_v, ov_hbm.at[pl.ds(st, C)])

    load_chunk(0, sets[0])

    @pl.loop(0, CHUNKS // 2)
    def _k(k):
        i0 = k + k
        for p in range(2):
            i = i0 + p
            nxt = i + 1

            @pl.when(nxt < CHUNKS)
            def _prefetch():
                load_chunk(nxt, sets[(p + 1) % 2])

            wait_chunk(sets[p])
            compute_chunk(i, sets[p])


def kernel(points_2d, image_indices, camera_indices, point_indices,
           camera_pps, extrinsics, intrinsics, points_3d):
    del camera_indices
    consts = jnp.concatenate([
        jnp.broadcast_to(intrinsics[0, 0], (L,)),
        jnp.broadcast_to(camera_pps[0, 0], (L,)),
        jnp.broadcast_to(camera_pps[0, 1], (L,)),
    ]).astype(jnp.float32)
    ext_flat = extrinsics.reshape(-1)
    mesh = plsc.VectorSubcoreMesh(core_axis_name="c", subcore_axis_name="s")
    cp = pltpu.CompilerParams()
    if "needs_layout_passes" in pltpu.CompilerParams.__dataclass_fields__:
        cp = dataclasses.replace(cp, needs_layout_passes=False)
    cp = dataclasses.replace(cp, use_tc_tiling_on_sc=False)
    run = pl.kernel(
        _body,
        compiler_params=cp,
        out_type=(jax.ShapeDtypeStruct((N,), jnp.float32),
                  jax.ShapeDtypeStruct((N,), jnp.float32)),
        mesh=mesh,
        scratch_types=[
            pltpu.VMEM((NUM_IMGS * 7,), jnp.float32),
            pltpu.VMEM((3 * L,), jnp.float32),
            pltpu.VMEM((C,), jnp.int32),
            pltpu.VMEM((C,), jnp.int32),
            pltpu.VMEM((C,), jnp.float32),
            pltpu.VMEM((C,), jnp.float32),
            pltpu.VMEM((C,), jnp.float32),
            pltpu.VMEM((C,), jnp.int32),
            pltpu.VMEM((C,), jnp.int32),
            pltpu.VMEM((C,), jnp.float32),
            pltpu.VMEM((C,), jnp.float32),
            pltpu.VMEM((C,), jnp.float32),
            pltpu.VMEM((C,), jnp.float32),
            pltpu.VMEM((C,), jnp.float32),
            pltpu.SemaphoreType.DMA,
            pltpu.SemaphoreType.DMA,
        ],
    )
    ou, ov = run(image_indices.astype(jnp.int32),
                 point_indices.astype(jnp.int32), consts, ext_flat,
                 points_3d[:, 0], points_3d[:, 1], points_3d[:, 2])
    return jnp.stack([ou, ov], axis=1) - points_2d

# --- scband reference (transcript-rebuilt; emitter-appended) ---
"""Pipeline reference for scband-reprojection-model-68839735820962 (READ-ONLY COPY).

The authoritative reference and input builder live on the scoring server;
editing this copy changes nothing except your own understanding.
"""

import jax, jax.numpy as jnp
import numpy as np

N = 4000000
NUM_PTS = 1000000
NUM_IMGS = 5000
NUM_CAMS = 1


def setup_inputs(seed: int = 0) -> dict:
    key = jax.random.key(seed)
    ks = jax.random.split(key, 9)
    points_2d = jax.random.normal(ks[0], (N, 2), dtype=jnp.float32)
    image_indices = jax.random.randint(ks[1], (N,), 0, NUM_IMGS, dtype=jnp.int64 if jax.config.jax_enable_x64 else jnp.int32)
    camera_indices = jax.random.randint(ks[2], (N,), 0, NUM_CAMS, dtype=jnp.int64 if jax.config.jax_enable_x64 else jnp.int32)
    point_indices = jax.random.randint(ks[3], (N,), 0, NUM_PTS, dtype=jnp.int64 if jax.config.jax_enable_x64 else jnp.int32)
    camera_pps = jax.random.normal(ks[4], (NUM_CAMS, 2), dtype=jnp.float32)
    # learned parameters per init_kwargs
    q = jax.random.normal(ks[5], (NUM_IMGS, 4), dtype=jnp.float32)
    q = q / jnp.linalg.norm(q, axis=-1, keepdims=True)
    t = jax.random.normal(ks[6], (NUM_IMGS, 3), dtype=jnp.float32) * 0.1
    t = t.at[:, 2].add(10.0)  # keep points in front of cameras
    extrinsics = jnp.concatenate([q, t], axis=-1)  # [NUM_IMGS, 7] quat+trans
    intrinsics = jnp.abs(jax.random.normal(ks[7], (NUM_CAMS, 1), dtype=jnp.float32)) * 100.0 + 500.0  # focal
    points_3d = jax.random.normal(ks[8], (NUM_PTS, 3), dtype=jnp.float32)
    return {
        'points_2d': points_2d,
        'image_indices': image_indices,
        'camera_indices': camera_indices,
        'point_indices': point_indices,
        'camera_pps': camera_pps,
        'extrinsics': extrinsics,
        'intrinsics': intrinsics,
        'points_3d': points_3d,
    }


def _quat_rotate(q, p):
    # q: [N,4] (w,x,y,z) unit quats, p: [N,3]
    qw = q[:, 0:1]
    qv = q[:, 1:4]
    uv = jnp.cross(qv, p)
    return p + 2.0 * jnp.cross(qv, uv + qw * p)


def _cost_fn(p3d, ext, intr, pp):
    # pinhole reprojection: project gathered 3D points with gathered poses/intrinsics
    q = ext[:, :4]
    t = ext[:, 4:7]
    p_cam = _quat_rotate(q, p3d) + t
    z = p_cam[:, 2:3]
    f = intr[:, 0:1]
    return f * p_cam[:, :2] / z + pp


def reference(points_2d, image_indices, camera_indices, point_indices, camera_pps, extrinsics, intrinsics, points_3d):
    p3d = jnp.take(points_3d, point_indices, axis=0)
    ext = jnp.take(extrinsics, image_indices, axis=0)
    intr = jnp.take(intrinsics, camera_indices, axis=0)
    pp = jnp.take(camera_pps, camera_indices, axis=0)
    loss = _cost_fn(p3d, ext, intr, pp)
    loss = loss - points_2d
    return loss

if __name__ == "__main__":
    import jax
    _d = setup_inputs()
    print(jax.jit(kernel)(*tuple(_d.values())))

</pallas_src>

<mosaic_0001>
#map = affine_map<(d0, d1) -> (0)>
module attributes {stable_mosaic.version = 14 : i64} {
  func.func @_body(%arg0: i32, %arg1: i32, %arg2: memref<4000000xi32, #tpu.memory_space<hbm>>, %arg3: memref<4000000xi32, #tpu.memory_space<hbm>>, %arg4: memref<48xf32, #tpu.memory_space<hbm>>, %arg5: memref<35000xf32, #tpu.memory_space<hbm>>, %arg6: memref<1000000xf32, #tpu.memory_space<hbm>>, %arg7: memref<1000000xf32, #tpu.memory_space<hbm>>, %arg8: memref<1000000xf32, #tpu.memory_space<hbm>>, %arg9: memref<4000000xf32, #tpu.memory_space<hbm>>, %arg10: memref<4000000xf32, #tpu.memory_space<hbm>>, %arg11: memref<35000xf32, #tpu.memory_space<vmem>>, %arg12: memref<48xf32, #tpu.memory_space<vmem>>, %arg13: memref<4096xi32, #tpu.memory_space<vmem>>, %arg14: memref<4096xi32, #tpu.memory_space<vmem>>, %arg15: memref<4096xf32, #tpu.memory_space<vmem>>, %arg16: memref<4096xf32, #tpu.memory_space<vmem>>, %arg17: memref<4096xf32, #tpu.memory_space<vmem>>, %arg18: memref<4096xi32, #tpu.memory_space<vmem>>, %arg19: memref<4096xi32, #tpu.memory_space<vmem>>, %arg20: memref<4096xf32, #tpu.memory_space<vmem>>, %arg21: memref<4096xf32, #tpu.memory_space<vmem>>, %arg22: memref<4096xf32, #tpu.memory_space<vmem>>, %arg23: memref<4096xf32, #tpu.memory_space<vmem>>, %arg24: memref<4096xf32, #tpu.memory_space<vmem>>, %arg25: memref<!tpu.dma_semaphore, #tpu.memory_space<semaphore_mem>>, %arg26: memref<!tpu.dma_semaphore, #tpu.memory_space<semaphore_mem>>) attributes {dimension_semantics = [#tpu.dimension_semantics<core_parallel>, #tpu.dimension_semantics<subcore_parallel>], iteration_bounds = array<i64: 2, 16>, scalar_prefetch = 0 : i64, scratch_operands = 16 : i64, tpu.core_type = #tpu.core_type<sc_vector_subcore>, window_params = [{transform_indices = #map}, {transform_indices = #map}, {transform_indices = #map}, {transform_indices = #map}, {transform_indices = #map}, {transform_indices = #map}, {transform_indices = #map}, {transform_indices = #map}, {transform_indices = #map}]} {
    %mul3A = arith.constant 2 : i32
    %mul3A_0 = arith.muli %arg1, %mul3A : i32
    %add3A = arith.addi %mul3A_0, %arg0 : i32
    "tpu.region"() ({
      %run_scoped3A = tpu.sem_alloc : memref<!tpu.dma_semaphore, #tpu.memory_space<semaphore_mem>>
      tpu.enqueue_dma source(%arg5 : memref<35000xf32, #tpu.memory_space<hbm>>) target(%arg11 : memref<35000xf32, #tpu.memory_space<vmem>>) target_semaphore(%run_scoped3A : memref<!tpu.dma_semaphore, #tpu.memory_space<semaphore_mem>>)
      tpu.wait_dma2 semaphore(%run_scoped3A : memref<!tpu.dma_semaphore, #tpu.memory_space<semaphore_mem>>) src(%arg5 : memref<35000xf32, #tpu.memory_space<hbm>>) dst(%arg11 : memref<35000xf32, #tpu.memory_space<vmem>>)
      tpu.yield
    }) : () -> ()
    "tpu.region"() ({
      %run_scoped3A = tpu.sem_alloc : memref<!tpu.dma_semaphore, #tpu.memory_space<semaphore_mem>>
      tpu.enqueue_dma source(%arg4 : memref<48xf32, #tpu.memory_space<hbm>>) target(%arg12 : memref<48xf32, #tpu.memory_space<vmem>>) target_semaphore(%run_scoped3A : memref<!tpu.dma_semaphore, #tpu.memory_space<semaphore_mem>>)
      tpu.wait_dma2 semaphore(%run_scoped3A : memref<!tpu.dma_semaphore, #tpu.memory_space<semaphore_mem>>) src(%arg4 : memref<48xf32, #tpu.memory_space<hbm>>) dst(%arg12 : memref<48xf32, #tpu.memory_space<vmem>>)
      tpu.yield
    }) : () -> ()
    %get3A = arith.constant 0 : index
    %get3A_1 = tpu.vector_load %arg12[%get3A] {strides = array<i32>} : memref<48xf32, #tpu.memory_space<vmem>>, vector<16xf32>,
    %get3A_2 = arith.constant 16 : index
    %get3A_3 = tpu.vector_load %arg12[%get3A_2] {strides = array<i32>} : memref<48xf32, #tpu.memory_space<vmem>>, vector<16xf32>,
    %get3A_4 = arith.constant 32 : index
    %get3A_5 = tpu.vector_load %arg12[%get3A_4] {strides = array<i32>} : memref<48xf32, #tpu.memory_space<vmem>>, vector<16xf32>,
    %lt3A = arith.constant 16 : i32
    %lt3A_6 = arith.cmpi slt, %add3A, %lt3A : i32
    %jit3A = arith.constant 1 : i32
    %jit3A_7 = arith.constant 0 : i32
    %select_n3A = arith.select %lt3A_6, %jit3A, %jit3A_7 : i32
    %add3A_8 = arith.constant 7812 : i32
    %add3A_9 = arith.addi %add3A_8, %select_n3A : i32
    %mul3A_10 = arith.constant 7812 : i32
    %mul3A_11 = arith.muli %add3A, %mul3A_10 : i32
    %min3A = arith.constant 16 : i32
    %min3A_12 = arith.minsi %add3A, %min3A : i32
    %add3A_13 = arith.addi %mul3A_11, %min3A_12 : i32
    %mul3A_14 = arith.constant 16 : i32
    %mul3A_15 = arith.muli %add3A_13, %mul3A_14 : i32
    %mul3A_16 = arith.constant 16 : i32
    %mul3A_17 = arith.muli %add3A_9, %mul3A_16 : i32
    %add3A_18 = arith.addi %mul3A_15, %mul3A_17 : i32
    %iota3A = tpu.iota {dimensions = array<i32: 0>} : vector<16xi32>
    %add3A_19 = arith.constant 0 : i32
    %add3A_20 = arith.addi %mul3A_15, %add3A_19 : i32
    %sub3A = arith.constant 4096 : i32
    %sub3A_21 = arith.subi %add3A_18, %sub3A : i32
    %min3A_22 = arith.minsi %add3A_20, %sub3A_21 : i32
    %multiple_of3A = tpu.assume_multiple %min3A_22, 16 : i32
    "tpu.region"() ({
      %run_scoped3A = tpu.sem_alloc : memref<!tpu.dma_semaphore, #tpu.memory_space<semaphore_mem>>
      %dma_start3A_32 = tpu.memref_slice %arg2[%multiple_of3A] : memref<4000000xi32, #tpu.memory_space<hbm>> -> memref<4096xi32, #tpu.memory_space<hbm>>
      %dma_start3A_33 = tpu.memref_slice %arg2[%multiple_of3A] : memref<4000000xi32, #tpu.memory_space<hbm>> -> memref<4096xi32, #tpu.memory_space<hbm>>
      tpu.enqueue_dma source(%dma_start3A_33 : memref<4096xi32, #tpu.memory_space<hbm>>) target(%arg13 : memref<4096xi32, #tpu.memory_space<vmem>>) target_semaphore(%run_scoped3A : memref<!tpu.dma_semaphore, #tpu.memory_space<semaphore_mem>>)
      %dma_wait3A = tpu.memref_slice %arg2[%multiple_of3A] : memref<4000000xi32, #tpu.memory_space<hbm>> -> memref<4096xi32, #tpu.memory_space<hbm>>
      %dma_wait3A_34 = tpu.memref_slice %arg2[%multiple_of3A] : memref<4000000xi32, #tpu.memory_space<hbm>> -> memref<4096xi32, #tpu.memory_space<hbm>>
      tpu.wait_dma2 semaphore(%run_scoped3A : memref<!tpu.dma_semaphore, #tpu.memory_space<semaphore_mem>>) src(%dma_wait3A_34 : memref<4096xi32, #tpu.memory_space<hbm>>) dst(%arg13 : memref<4096xi32, #tpu.memory_space<vmem>>)
      tpu.yield
    }) : () -> ()
    "tpu.region"() ({
      %run_scoped3A = tpu.sem_alloc : memref<!tpu.dma_semaphore, #tpu.memory_space<semaphore_mem>>
      %dma_start3A_32 = tpu.memref_slice %arg3[%multiple_of3A] : memref<4000000xi32, #tpu.memory_space<hbm>> -> memref<4096xi32, #tpu.memory_space<hbm>>
      %dma_start3A_33 = tpu.memref_slice %arg3[%multiple_of3A] : memref<4000000xi32, #tpu.memory_space<hbm>> -> memref<4096xi32, #tpu.memory_space<hbm>>
      tpu.enqueue_dma source(%dma_start3A_33 : memref<4096xi32, #tpu.memory_space<hbm>>) target(%arg14 : memref<4096xi32, #tpu.memory_space<vmem>>) target_semaphore(%run_scoped3A : memref<!tpu.dma_semaphore, #tpu.memory_space<semaphore_mem>>)
      %dma_wait3A = tpu.memref_slice %arg3[%multiple_of3A] : memref<4000000xi32, #tpu.memory_space<hbm>> -> memref<4096xi32, #tpu.memory_space<hbm>>
      %dma_wait3A_34 = tpu.memref_slice %arg3[%multiple_of3A] : memref<4000000xi32, #tpu.memory_space<hbm>> -> memref<4096xi32, #tpu.memory_space<hbm>>
      tpu.wait_dma2 semaphore(%run_scoped3A : memref<!tpu.dma_semaphore, #tpu.memory_space<semaphore_mem>>) src(%dma_wait3A_34 : memref<4096xi32, #tpu.memory_space<hbm>>) dst(%arg14 : memref<4096xi32, #tpu.memory_space<vmem>>)
      tpu.yield
    }) : () -> ()
    %dma_start3A = arith.constant 0 : i32
    %dma_start3A_23 = tpu.memref_slice %arg6[%dma_start3A] : memref<1000000xf32, #tpu.memory_space<hbm>> -> memref<1000000xf32, #tpu.memory_space<hbm>>
    tpu.enqueue_indirect_dma source(%dma_start3A_23 : memref<1000000xf32, #tpu.memory_space<hbm>>) target(%arg15 : memref<4096xf32, #tpu.memory_space<vmem>>) offsets(%arg14 : memref<4096xi32, #tpu.memory_space<vmem>>) semaphore(%arg25 : memref<!tpu.dma_semaphore, #tpu.memory_space<semaphore_mem>>)
    %dma_start3A_24 = arith.constant 0 : i32
    %dma_start3A_25 = tpu.memref_slice %arg7[%dma_start3A_24] : memref<1000000xf32, #tpu.memory_space<hbm>> -> memref<1000000xf32, #tpu.memory_space<hbm>>
    tpu.enqueue_indirect_dma source(%dma_start3A_25 : memref<1000000xf32, #tpu.memory_space<hbm>>) target(%arg16 : memref<4096xf32, #tpu.memory_space<vmem>>) offsets(%arg14 : memref<4096xi32, #tpu.memory_space<vmem>>) semaphore(%arg25 : memref<!tpu.dma_semaphore, #tpu.memory_space<semaphore_mem>>)
    %dma_start3A_26 = arith.constant 0 : i32
    %dma_start3A_27 = tpu.memref_slice %arg8[%dma_start3A_26] : memref<1000000xf32, #tpu.memory_space<hbm>> -> memref<1000000xf32, #tpu.memory_space<hbm>>
    tpu.enqueue_indirect_dma source(%dma_start3A_27 : memref<1000000xf32, #tpu.memory_space<hbm>>) target(%arg17 : memref<4096xf32, #tpu.memory_space<vmem>>) offsets(%arg14 : memref<4096xi32, #tpu.memory_space<vmem>>) semaphore(%arg25 : memref<!tpu.dma_semaphore, #tpu.memory_space<semaphore_mem>>)
    %scan3A = arith.constant 0 : i32
    %scan3A_28 = arith.constant 16 : i32
    %scan3A_29 = arith.addi %scan3A, %scan3A_28 : i32
    %scan3A_30 = arith.constant 1 : i32
    scf.for %scan3A_32 = %scan3A to %scan3A_29 step %scan3A_30  : i32 {
      %mul3A_33 = arith.constant 1 : i32
      %mul3A_34 = arith.muli %scan3A_32, %mul3A_33 : i32
      %add3A_35 = arith.constant 0 : i32
      %add3A_36 = arith.addi %add3A_35, %mul3A_34 : i32
      %add3A_37 = arith.addi %add3A_36, %add3A_36 : i32
      %add3A_38 = arith.constant 0 : i32
      %add3A_39 = arith.addi %add3A_37, %add3A_38 : i32
      %add3A_40 = arith.constant 1 : i32
      %add3A_41 = arith.addi %add3A_39, %add3A_40 : i32
      %lt3A_42 = arith.constant 32 : i32
      %lt3A_43 = arith.cmpi slt, %add3A_41, %lt3A_42 : i32
      %convert_element_type3A = arith.extui %lt3A_43 : i1 to i32
      %cond3A = arith.constant 0 : i32
      %cond3A_44 = arith.cmpi ne, %convert_element_type3A, %cond3A : i32
      scf.if %cond3A_44 {
        %mul3A_89 = arith.constant 4096 : i32
        %mul3A_90 = arith.muli %add3A_41, %mul3A_89 : i32
        %add3A_91 = arith.addi %mul3A_15, %mul3A_90 : i32
        %sub3A_92 = arith.constant 4096 : i32
        %sub3A_93 = arith.subi %add3A_18, %sub3A_92 : i32
        %min3A_94 = arith.minsi %add3A_91, %sub3A_93 : i32
        %multiple_of3A_95 = tpu.assume_multiple %min3A_94, 16 : i32
        "tpu.region"() ({
          %run_scoped3A = tpu.sem_alloc : memref<!tpu.dma_semaphore, #tpu.memory_space<semaphore_mem>>
          %dma_start3A_102 = tpu.memref_slice %arg2[%multiple_of3A_95] : memref<4000000xi32, #tpu.memory_space<hbm>> -> memref<4096xi32, #tpu.memory_space<hbm>>
          %dma_start3A_103 = tpu.memref_slice %arg2[%multiple_of3A_95] : memref<4000000xi32, #tpu.memory_space<hbm>> -> memref<4096xi32, #tpu.memory_space<hbm>>
          tpu.enqueue_dma source(%dma_start3A_103 : memref<4096xi32, #tpu.memory_space<hbm>>) target(%arg18 : memref<4096xi32, #tpu.memory_space<vmem>>) target_semaphore(%run_scoped3A : memref<!tpu.dma_semaphore, #tpu.memory_space<semaphore_mem>>)
          %dma_wait3A_104 = tpu.memref_slice %arg2[%multiple_of3A_95] : memref<4000000xi32, #tpu.memory_space<hbm>> -> memref<4096xi32, #tpu.memory_space<hbm>>
          %dma_wait3A_105 = tpu.memref_slice %arg2[%multiple_of3A_95] : memref<4000000xi32, #tpu.memory_space<hbm>> -> memref<4096xi32, #tpu.memory_space<hbm>>
          tpu.wait_dma2 semaphore(%run_scoped3A : memref<!tpu.dma_semaphore, #tpu.memory_space<semaphore_mem>>) src(%dma_wait3A_105 : memref<4096xi32, #tpu.memory_space<hbm>>) dst(%arg18 : memref<4096xi32, #tpu.memory_space<vmem>>)
          tpu.yield
        }) : () -> ()
        "tpu.region"() ({
          %run_scoped3A = tpu.sem_alloc : memref<!tpu.dma_semaphore, #tpu.memory_space<semaphore_mem>>
          %dma_start3A_102 = tpu.memref_slice %arg3[%multiple_of3A_95] : memref<4000000xi32, #tpu.memory_space<hbm>> -> memref<4096xi32, #tpu.memory_space<hbm>>
          %dma_start3A_103 = tpu.memref_slice %arg3[%multiple_of3A_95] : memref<4000000xi32, #tpu.memory_space<hbm>> -> memref<4096xi32, #tpu.memory_space<hbm>>
          tpu.enqueue_dma source(%dma_start3A_103 : memref<4096xi32, #tpu.memory_space<hbm>>) target(%arg19 : memref<4096xi32, #tpu.memory_space<vmem>>) target_semaphore(%run_scoped3A : memref<!tpu.dma_semaphore, #tpu.memory_space<semaphore_mem>>)
          %dma_wait3A_104 = tpu.memref_slice %arg3[%multiple_of3A_95] : memref<4000000xi32, #tpu.memory_space<hbm>> -> memref<4096xi32, #tpu.memory_space<hbm>>
          %dma_wait3A_105 = tpu.memref_slice %arg3[%multiple_of3A_95] : memref<4000000xi32, #tpu.memory_space<hbm>> -> memref<4096xi32, #tpu.memory_space<hbm>>
          tpu.wait_dma2 semaphore(%run_scoped3A : memref<!tpu.dma_semaphore, #tpu.memory_space<semaphore_mem>>) src(%dma_wait3A_105 : memref<4096xi32, #tpu.memory_space<hbm>>) dst(%arg19 : memref<4096xi32, #tpu.memory_space<vmem>>)
          tpu.yield
        }) : () -> ()
        %dma_start3A_96 = arith.constant 0 : i32
        %dma_start3A_97 = tpu.memref_slice %arg6[%dma_start3A_96] : memref<1000000xf32, #tpu.memory_space<hbm>> -> memref<1000000xf32, #tpu.memory_space<hbm>>
        tpu.enqueue_indirect_dma source(%dma_start3A_97 : memref<1000000xf32, #tpu.memory_space<hbm>>) target(%arg20 : memref<4096xf32, #tpu.memory_space<vmem>>) offsets(%arg19 : memref<4096xi32, #tpu.memory_space<vmem>>) semaphore(%arg26 : memref<!tpu.dma_semaphore, #tpu.memory_space<semaphore_mem>>)
        %dma_start3A_98 = arith.constant 0 : i32
        %dma_start3A_99 = tpu.memref_slice %arg7[%dma_start3A_98] : memref<1000000xf32, #tpu.memory_space<hbm>> -> memref<1000000xf32, #tpu.memory_space<hbm>>
        tpu.enqueue_indirect_dma source(%dma_start3A_99 : memref<1000000xf32, #tpu.memory_space<hbm>>) target(%arg21 : memref<4096xf32, #tpu.memory_space<vmem>>) offsets(%arg19 : memref<4096xi32, #tpu.memory_space<vmem>>) semaphore(%arg26 : memref<!tpu.dma_semaphore, #tpu.memory_space<semaphore_mem>>)
        %dma_start3A_100 = arith.constant 0 : i32
        %dma_start3A_101 = tpu.memref_slice %arg8[%dma_start3A_100] : memref<1000000xf32, #tpu.memory_space<hbm>> -> memref<1000000xf32, #tpu.memory_space<hbm>>
        tpu.enqueue_indirect_dma source(%dma_start3A_101 : memref<1000000xf32, #tpu.memory_space<hbm>>) target(%arg22 : memref<4096xf32, #tpu.memory_space<vmem>>) offsets(%arg19 : memref<4096xi32, #tpu.memory_space<vmem>>) semaphore(%arg26 : memref<!tpu.dma_semaphore, #tpu.memory_space<semaphore_mem>>)
      } else {
      }
      %dma_wait3A = arith.constant 0 : i32
      %dma_wait3A_45 = tpu.memref_slice %arg6[%dma_wait3A] : memref<1000000xf32, #tpu.memory_space<hbm>> -> memref<1000000xf32, #tpu.memory_space<hbm>>
      tpu.wait_indirect_dma semaphore(%arg25 : memref<!tpu.dma_semaphore, #tpu.memory_space<semaphore_mem>>) src(%dma_wait3A_45 : memref<1000000xf32, #tpu.memory_space<hbm>>) dst(%arg15 : memref<4096xf32, #tpu.memory_space<vmem>>)
      %dma_wait3A_46 = arith.constant 0 : i32
      %dma_wait3A_47 = tpu.memref_slice %arg7[%dma_wait3A_46] : memref<1000000xf32, #tpu.memory_space<hbm>> -> memref<1000000xf32, #tpu.memory_space<hbm>>
      tpu.wait_indirect_dma semaphore(%arg25 : memref<!tpu.dma_semaphore, #tpu.memory_space<semaphore_mem>>) src(%dma_wait3A_47 : memref<1000000xf32, #tpu.memory_space<hbm>>) dst(%arg16 : memref<4096xf32, #tpu.memory_space<vmem>>)
      %dma_wait3A_48 = arith.constant 0 : i32
      %dma_wait3A_49 = tpu.memref_slice %arg8[%dma_wait3A_48] : memref<1000000xf32, #tpu.memory_space<hbm>> -> memref<1000000xf32, #tpu.memory_space<hbm>>
      tpu.wait_indirect_dma semaphore(%arg25 : memref<!tpu.dma_semaphore, #tpu.memory_space<semaphore_mem>>) src(%dma_wait3A_49 : memref<1000000xf32, #tpu.memory_space<hbm>>) dst(%arg17 : memref<4096xf32, #tpu.memory_space<vmem>>)
      %mul3A_50 = arith.constant 4096 : i32
      %mul3A_51 = arith.muli %add3A_39, %mul3A_50 : i32
      %add3A_52 = arith.addi %mul3A_15, %mul3A_51 : i32
      %sub3A_53 = arith.constant 4096 : i32
      %sub3A_54 = arith.subi %add3A_18, %sub3A_53 : i32
      %min3A_55 = arith.minsi %add3A_52, %sub3A_54 : i32
      %multiple_of3A_56 = tpu.assume_multiple %min3A_55, 16 : i32
      %scan3A_57 = arith.constant 0 : i32
      %scan3A_58 = arith.constant 256 : i32
      %scan3A_59 = arith.addi %scan3A_57, %scan3A_58 : i32
      %scan3A_60 = arith.constant 1 : i32
      scf.for %scan3A_89 = %scan3A_57 to %scan3A_59 step %scan3A_60  : i32 {
        %mul3A_90 = arith.constant 1 : i32
        %mul3A_91 = arith.muli %scan3A_89, %mul3A_90 : i32
        %add3A_92 = arith.constant 0 : i32
        %add3A_93 = arith.addi %add3A_92, %mul3A_91 : i32
        %mul3A_94 = arith.constant 16 : i32
        %mul3A_95 = arith.muli %add3A_93, %mul3A_94 : i32
        %multiple_of3A_96 = tpu.assume_multiple %mul3A_95, 16 : i32
        %add3A_97 = vector.broadcast %multiple_of3A_96 : i32 to vector<16xi32>
        %add3A_98 = arith.addi %iota3A, %add3A_97 : vector<16xi32>
        %get3A_99 = arith.index_cast %multiple_of3A_96 : i32 to index
        %get3A_100 = tpu.vector_load %arg13[%get3A_99] {strides = array<i32>} : memref<4096xi32, #tpu.memory_space<vmem>>, vector<16xi32>,
        %mul3A_101 = arith.constant 7 : i32
        %mul3A_102 = vector.broadcast %mul3A_101 : i32 to vector<16xi32>
        %mul3A_103 = arith.muli %get3A_100, %mul3A_102 : vector<16xi32>
        %gather3A = tpu.vector_load_idx %arg11[%mul3A_103] : memref<35000xf32, #tpu.memory_space<vmem>>[vector<16xi32>], vector<16xf32>,
        %add3A_104 = arith.constant 1 : i32
        %add3A_105 = vector.broadcast %add3A_104 : i32 to vector<16xi32>
        %add3A_106 = arith.addi %mul3A_103, %add3A_105 : vector<16xi32>
        %gather3A_107 = tpu.vector_load_idx %arg11[%add3A_106] : memref<35000xf32, #tpu.memory_space<vmem>>[vector<16xi32>], vector<16xf32>,
        %add3A_108 = arith.constant 2 : i32
        %add3A_109 = vector.broadcast %add3A_108 : i32 to vector<16xi32>
        %add3A_110 = arith.addi %mul3A_103, %add3A_109 : vector<16xi32>
        %gather3A_111 = tpu.vector_load_idx %arg11[%add3A_110] : memref<35000xf32, #tpu.memory_space<vmem>>[vector<16xi32>], vector<16xf32>,
        %add3A_112 = arith.constant 3 : i32
        %add3A_113 = vector.broadcast %add3A_112 : i32 to vector<16xi32>
        %add3A_114 = arith.addi %mul3A_103, %add3A_113 : vector<16xi32>
        %gather3A_115 = tpu.vector_load_idx %arg11[%add3A_114] : memref<35000xf32, #tpu.memory_space<vmem>>[vector<16xi32>], vector<16xf32>,
        %add3A_116 = arith.constant 4 : i32
        %add3A_117 = vector.broadcast %add3A_116 : i32 to vector<16xi32>
        %add3A_118 = arith.addi %mul3A_103, %add3A_117 : vector<16xi32>
        %gather3A_119 = tpu.vector_load_idx %arg11[%add3A_118] : memref<35000xf32, #tpu.memory_space<vmem>>[vector<16xi32>], vector<16xf32>,
        %add3A_120 = arith.constant 5 : i32
        %add3A_121 = vector.broadcast %add3A_120 : i32 to vector<16xi32>
        %add3A_122 = arith.addi %mul3A_103, %add3A_121 : vector<16xi32>
        %gather3A_123 = tpu.vector_load_idx %arg11[%add3A_122] : memref<35000xf32, #tpu.memory_space<vmem>>[vector<16xi32>], vector<16xf32>,
        %add3A_124 = arith.constant 6 : i32
        %add3A_125 = vector.broadcast %add3A_124 : i32 to vector<16xi32>
        %add3A_126 = arith.addi %mul3A_103, %add3A_125 : vector<16xi32>
        %gather3A_127 = tpu.vector_load_idx %arg11[%add3A_126] : memref<35000xf32, #tpu.memory_space<vmem>>[vector<16xi32>], vector<16xf32>,
        %get3A_128 = arith.index_cast %multiple_of3A_96 : i32 to index
        %get3A_129 = tpu.vector_load %arg15[%get3A_128] {strides = array<i32>} : memref<4096xf32, #tpu.memory_space<vmem>>, vector<16xf32>,
        %get3A_130 = arith.index_cast %multiple_of3A_96 : i32 to index
        %get3A_131 = tpu.vector_load %arg16[%get3A_130] {strides = array<i32>} : memref<4096xf32, #tpu.memory_space<vmem>>, vector<16xf32>,
        %get3A_132 = arith.index_cast %multiple_of3A_96 : i32 to index
        %get3A_133 = tpu.vector_load %arg17[%get3A_132] {strides = array<i32>} : memref<4096xf32, #tpu.memory_space<vmem>>, vector<16xf32>,
        %mul3A_134 = arith.mulf %gather3A_111, %get3A_133 : vector<16xf32>
        %mul3A_135 = arith.mulf %gather3A_115, %get3A_131 : vector<16xf32>
        %sub3A_136 = arith.subf %mul3A_134, %mul3A_135 : vector<16xf32>
        %mul3A_137 = arith.mulf %gather3A_115, %get3A_129 : vector<16xf32>
        %mul3A_138 = arith.mulf %gather3A_107, %get3A_133 : vector<16xf32>
        %sub3A_139 = arith.subf %mul3A_137, %mul3A_138 : vector<16xf32>
        %mul3A_140 = arith.mulf %gather3A_107, %get3A_131 : vector<16xf32>
        %mul3A_141 = arith.mulf %gather3A_111, %get3A_129 : vector<16xf32>
        %sub3A_142 = arith.subf %mul3A_140, %mul3A_141 : vector<16xf32>
        %mul3A_143 = arith.mulf %gather3A, %get3A_129 : vector<16xf32>
        %add3A_144 = arith.addf %sub3A_136, %mul3A_143 : vector<16xf32>
        %mul3A_145 = arith.mulf %gather3A, %get3A_131 : vector<16xf32>
        %add3A_146 = arith.addf %sub3A_139, %mul3A_145 : vector<16xf32>
        %mul3A_147 = arith.mulf %gather3A, %get3A_133 : vector<16xf32>
        %add3A_148 = arith.addf %sub3A_142, %mul3A_147 : vector<16xf32>
        %mul3A_149 = arith.mulf %gather3A_111, %add3A_148 : vector<16xf32>
        %mul3A_150 = arith.mulf %gather3A_115, %add3A_146 : vector<16xf32>
        %sub3A_151 = arith.subf %mul3A_149, %mul3A_150 : vector<16xf32>
        %mul3A_152 = arith.mulf %gather3A_115, %add3A_144 : vector<16xf32>
        %mul3A_153 = arith.mulf %gather3A_107, %add3A_148 : vector<16xf32>
        %sub3A_154 = arith.subf %mul3A_152, %mul3A_153 : vector<16xf32>
        %mul3A_155 = arith.mulf %gather3A_107, %add3A_146 : vector<16xf32>
        %mul3A_156 = arith.mulf %gather3A_111, %add3A_144 : vector<16xf32>
        %sub3A_157 = arith.subf %mul3A_155, %mul3A_156 : vector<16xf32>
        %add3A_158 = arith.addf %get3A_129, %sub3A_151 : vector<16xf32>
        %add3A_159 = arith.addf %add3A_158, %sub3A_151 : vector<16xf32>
        %add3A_160 = arith.addf %add3A_159, %gather3A_119 : vector<16xf32>
        %add3A_161 = arith.addf %get3A_131, %sub3A_154 : vector<16xf32>
        %add3A_162 = arith.addf %add3A_161, %sub3A_154 : vector<16xf32>
        %add3A_163 = arith.addf %add3A_162, %gather3A_123 : vector<16xf32>
        %add3A_164 = arith.addf %get3A_133, %sub3A_157 : vector<16xf32>
        %add3A_165 = arith.addf %add3A_164, %sub3A_157 : vector<16xf32>
        %add3A_166 = arith.addf %add3A_165, %gather3A_127 : vector<16xf32>
        %div3A = arith.divf %get3A_1, %add3A_166 : vector<16xf32>
        %mul3A_167 = arith.mulf %add3A_160, %div3A : vector<16xf32>
        %add3A_168 = arith.addf %mul3A_167, %get3A_3 : vector<16xf32>
        tpu.vector_store_idx %arg23[%add3A_98], %add3A_168 : memref<4096xf32, #tpu.memory_space<vmem>>[vector<16xi32>], vector<16xf32>,
        %mul3A_169 = arith.mulf %add3A_163, %div3A : vector<16xf32>
        %add3A_170 = arith.addf %mul3A_169, %get3A_5 : vector<16xf32>
        tpu.vector_store_idx %arg24[%add3A_98], %add3A_170 : memref<4096xf32, #tpu.memory_space<vmem>>[vector<16xi32>], vector<16xf32>,
      }
      %scan3A_61 = arith.constant 256 : i32
      "tpu.region"() ({
        %run_scoped3A = tpu.sem_alloc : memref<!tpu.dma_semaphore, #tpu.memory_space<semaphore_mem>>
        %dma_start3A_89 = tpu.memref_slice %arg9[%multiple_of3A_56] : memref<4000000xf32, #tpu.memory_space<hbm>> -> memref<4096xf32, #tpu.memory_space<hbm>>
        %dma_start3A_90 = tpu.memref_slice %arg9[%multiple_of3A_56] : memref<4000000xf32, #tpu.memory_space<hbm>> -> memref<4096xf32, #tpu.memory_space<hbm>>
        tpu.enqueue_dma source(%arg23 : memref<4096xf32, #tpu.memory_space<vmem>>) target(%dma_start3A_90 : memref<4096xf32, #tpu.memory_space<hbm>>) target_semaphore(%run_scoped3A : memref<!tpu.dma_semaphore, #tpu.memory_space<semaphore_mem>>)
        %dma_wait3A_91 = tpu.memref_slice %arg9[%multiple_of3A_56] : memref<4000000xf32, #tpu.memory_space<hbm>> -> memref<4096xf32, #tpu.memory_space<hbm>>
        %dma_wait3A_92 = tpu.memref_slice %arg9[%multiple_of3A_56] : memref<4000000xf32, #tpu.memory_space<hbm>> -> memref<4096xf32, #tpu.memory_space<hbm>>
        tpu.wait_dma2 semaphore(%run_scoped3A : memref<!tpu.dma_semaphore, #tpu.memory_space<semaphore_mem>>) src(%arg23 : memref<4096xf32, #tpu.memory_space<vmem>>) dst(%dma_wait3A_92 : memref<4096xf32, #tpu.memory_space<hbm>>)
        tpu.yield
      }) : () -> ()
      "tpu.region"() ({
        %run_scoped3A = tpu.sem_alloc : memref<!tpu.dma_semaphore, #tpu.memory_space<semaphore_mem>>
        %dma_start3A_89 = tpu.memref_slice %arg10[%multiple_of3A_56] : memref<4000000xf32, #tpu.memory_space<hbm>> -> memref<4096xf32, #tpu.memory_space<hbm>>
        %dma_start3A_90 = tpu.memref_slice %arg10[%multiple_of3A_56] : memref<4000000xf32, #tpu.memory_space<hbm>> -> memref<4096xf32, #tpu.memory_space<hbm>>
        tpu.enqueue_dma source(%arg24 : memref<4096xf32, #tpu.memory_space<vmem>>) target(%dma_start3A_90 : memref<4096xf32, #tpu.memory_space<hbm>>) target_semaphore(%run_scoped3A : memref<!tpu.dma_semaphore, #tpu.memory_space<semaphore_mem>>)
        %dma_wait3A_91 = tpu.memref_slice %arg10[%multiple_of3A_56] : memref<4000000xf32, #tpu.memory_space<hbm>> -> memref<4096xf32, #tpu.memory_space<hbm>>
        %dma_wait3A_92 = tpu.memref_slice %arg10[%multiple_of3A_56] : memref<4000000xf32, #tpu.memory_space<hbm>> -> memref<4096xf32, #tpu.memory_space<hbm>>
        tpu.wait_dma2 semaphore(%run_scoped3A : memref<!tpu.dma_semaphore, #tpu.memory_space<semaphore_mem>>) src(%arg24 : memref<4096xf32, #tpu.memory_space<vmem>>) dst(%dma_wait3A_92 : memref<4096xf32, #tpu.memory_space<hbm>>)
        tpu.yield
      }) : () -> ()
      %add3A_62 = arith.constant 1 : i32
      %add3A_63 = arith.addi %add3A_37, %add3A_62 : i32
      %add3A_64 = arith.constant 1 : i32
      %add3A_65 = arith.addi %add3A_63, %add3A_64 : i32
      %lt3A_66 = arith.constant 32 : i32
      %lt3A_67 = arith.cmpi slt, %add3A_65, %lt3A_66 : i32
      %convert_element_type3A_68 = arith.extui %lt3A_67 : i1 to i32
      %cond3A_69 = arith.constant 0 : i32
      %cond3A_70 = arith.cmpi ne, %convert_element_type3A_68, %cond3A_69 : i32
      scf.if %cond3A_70 {
        %mul3A_89 = arith.constant 4096 : i32
        %mul3A_90 = arith.muli %add3A_65, %mul3A_89 : i32
        %add3A_91 = arith.addi %mul3A_15, %mul3A_90 : i32
        %sub3A_92 = arith.constant 4096 : i32
        %sub3A_93 = arith.subi %add3A_18, %sub3A_92 : i32
        %min3A_94 = arith.minsi %add3A_91, %sub3A_93 : i32
        %multiple_of3A_95 = tpu.assume_multiple %min3A_94, 16 : i32
        "tpu.region"() ({
          %run_scoped3A = tpu.sem_alloc : memref<!tpu.dma_semaphore, #tpu.memory_space<semaphore_mem>>
          %dma_start3A_102 = tpu.memref_slice %arg2[%multiple_of3A_95] : memref<4000000xi32, #tpu.memory_space<hbm>> -> memref<4096xi32, #tpu.memory_space<hbm>>
          %dma_start3A_103 = tpu.memref_slice %arg2[%multiple_of3A_95] : memref<4000000xi32, #tpu.memory_space<hbm>> -> memref<4096xi32, #tpu.memory_space<hbm>>
          tpu.enqueue_dma source(%dma_start3A_103 : memref<4096xi32, #tpu.memory_space<hbm>>) target(%arg13 : memref<4096xi32, #tpu.memory_space<vmem>>) target_semaphore(%run_scoped3A : memref<!tpu.dma_semaphore, #tpu.memory_space<semaphore_mem>>)
          %dma_wait3A_104 = tpu.memref_slice %arg2[%multiple_of3A_95] : memref<4000000xi32, #tpu.memory_space<hbm>> -> memref<4096xi32, #tpu.memory_space<hbm>>
          %dma_wait3A_105 = tpu.memref_slice %arg2[%multiple_of3A_95] : memref<4000000xi32, #tpu.memory_space<hbm>> -> memref<4096xi32, #tpu.memory_space<hbm>>
          tpu.wait_dma2 semaphore(%run_scoped3A : memref<!tpu.dma_semaphore, #tpu.memory_space<semaphore_mem>>) src(%dma_wait3A_105 : memref<4096xi32, #tpu.memory_space<hbm>>) dst(%arg13 : memref<4096xi32, #tpu.memory_space<vmem>>)
          tpu.yield
        }) : () -> ()
        "tpu.region"() ({
          %run_scoped3A = tpu.sem_alloc : memref<!tpu.dma_semaphore, #tpu.memory_space<semaphore_mem>>
          %dma_start3A_102 = tpu.memref_slice %arg3[%multiple_of3A_95] : memref<4000000xi32, #tpu.memory_space<hbm>> -> memref<4096xi32, #tpu.memory_space<hbm>>
          %dma_start3A_103 = tpu.memref_slice %arg3[%multiple_of3A_95] : memref<4000000xi32, #tpu.memory_space<hbm>> -> memref<4096xi32, #tpu.memory_space<hbm>>
          tpu.enqueue_dma source(%dma_start3A_103 : memref<4096xi32, #tpu.memory_space<hbm>>) target(%arg14 : memref<4096xi32, #tpu.memory_space<vmem>>) target_semaphore(%run_scoped3A : memref<!tpu.dma_semaphore, #tpu.memory_space<semaphore_mem>>)
          %dma_wait3A_104 = tpu.memref_slice %arg3[%multiple_of3A_95] : memref<4000000xi32, #tpu.memory_space<hbm>> -> memref<4096xi32, #tpu.memory_space<hbm>>
          %dma_wait3A_105 = tpu.memref_slice %arg3[%multiple_of3A_95] : memref<4000000xi32, #tpu.memory_space<hbm>> -> memref<4096xi32, #tpu.memory_space<hbm>>
          tpu.wait_dma2 semaphore(%run_scoped3A : memref<!tpu.dma_semaphore, #tpu.memory_space<semaphore_mem>>) src(%dma_wait3A_105 : memref<4096xi32, #tpu.memory_space<hbm>>) dst(%arg14 : memref<4096xi32, #tpu.memory_space<vmem>>)
          tpu.yield
        }) : () -> ()
        %dma_start3A_96 = arith.constant 0 : i32
        %dma_start3A_97 = tpu.memref_slice %arg6[%dma_start3A_96] : memref<1000000xf32, #tpu.memory_space<hbm>> -> memref<1000000xf32, #tpu.memory_space<hbm>>
        tpu.enqueue_indirect_dma source(%dma_start3A_97 : memref<1000000xf32, #tpu.memory_space<hbm>>) target(%arg15 : memref<4096xf32, #tpu.memory_space<vmem>>) offsets(%arg14 : memref<4096xi32, #tpu.memory_space<vmem>>) semaphore(%arg25 : memref<!tpu.dma_semaphore, #tpu.memory_space<semaphore_mem>>)
        %dma_start3A_98 = arith.constant 0 : i32
        %dma_start3A_99 = tpu.memref_slice %arg7[%dma_start3A_98] : memref<1000000xf32, #tpu.memory_space<hbm>> -> memref<1000000xf32, #tpu.memory_space<hbm>>
        tpu.enqueue_indirect_dma source(%dma_start3A_99 : memref<1000000xf32, #tpu.memory_space<hbm>>) target(%arg16 : memref<4096xf32, #tpu.memory_space<vmem>>) offsets(%arg14 : memref<4096xi32, #tpu.memory_space<vmem>>) semaphore(%arg25 : memref<!tpu.dma_semaphore, #tpu.memory_space<semaphore_mem>>)
        %dma_start3A_100 = arith.constant 0 : i32
        %dma_start3A_101 = tpu.memref_slice %arg8[%dma_start3A_100] : memref<1000000xf32, #tpu.memory_space<hbm>> -> memref<1000000xf32, #tpu.memory_space<hbm>>
        tpu.enqueue_indirect_dma source(%dma_start3A_101 : memref<1000000xf32, #tpu.memory_space<hbm>>) target(%arg17 : memref<4096xf32, #tpu.memory_space<vmem>>) offsets(%arg14 : memref<4096xi32, #tpu.memory_space<vmem>>) semaphore(%arg25 : memref<!tpu.dma_semaphore, #tpu.memory_space<semaphore_mem>>)
      } else {
      }
      %dma_wait3A_71 = arith.constant 0 : i32
      %dma_wait3A_72 = tpu.memref_slice %arg6[%dma_wait3A_71] : memref<1000000xf32, #tpu.memory_space<hbm>> -> memref<1000000xf32, #tpu.memory_space<hbm>>
      tpu.wait_indirect_dma semaphore(%arg26 : memref<!tpu.dma_semaphore, #tpu.memory_space<semaphore_mem>>) src(%dma_wait3A_72 : memref<1000000xf32, #tpu.memory_space<hbm>>) dst(%arg20 : memref<4096xf32, #tpu.memory_space<vmem>>)
      %dma_wait3A_73 = arith.constant 0 : i32
      %dma_wait3A_74 = tpu.memref_slice %arg7[%dma_wait3A_73] : memref<1000000xf32, #tpu.memory_space<hbm>> -> memref<1000000xf32, #tpu.memory_space<hbm>>
      tpu.wait_indirect_dma semaphore(%arg26 : memref<!tpu.dma_semaphore, #tpu.memory_space<semaphore_mem>>) src(%dma_wait3A_74 : memref<1000000xf32, #tpu.memory_space<hbm>>) dst(%arg21 : memref<4096xf32, #tpu.memory_space<vmem>>)
      %dma_wait3A_75 = arith.constant 0 : i32
      %dma_wait3A_76 = tpu.memref_slice %arg8[%dma_wait3A_75] : memref<1000000xf32, #tpu.memory_space<hbm>> -> memref<1000000xf32, #tpu.memory_space<hbm>>
      tpu.wait_indirect_dma semaphore(%arg26 : memref<!tpu.dma_semaphore, #tpu.memory_space<semaphore_mem>>) src(%dma_wait3A_76 : memref<1000000xf32, #tpu.memory_space<hbm>>) dst(%arg22 : memref<4096xf32, #tpu.memory_space<vmem>>)
      %mul3A_77 = arith.constant 4096 : i32
      %mul3A_78 = arith.muli %add3A_63, %mul3A_77 : i32
      %add3A_79 = arith.addi %mul3A_15, %mul3A_78 : i32
      %sub3A_80 = arith.constant 4096 : i32
      %sub3A_81 = arith.subi %add3A_18, %sub3A_80 : i32
      %min3A_82 = arith.minsi %add3A_79, %sub3A_81 : i32
      %multiple_of3A_83 = tpu.assume_multiple %min3A_82, 16 : i32
      %scan3A_84 = arith.constant 0 : i32
      %scan3A_85 = arith.constant 256 : i32
      %scan3A_86 = arith.addi %scan3A_84, %scan3A_85 : i32
      %scan3A_87 = arith.constant 1 : i32
      scf.for %scan3A_89 = %scan3A_84 to %scan3A_86 step %scan3A_87  : i32 {
        %mul3A_90 = arith.constant 1 : i32
        %mul3A_91 = arith.muli %scan3A_89, %mul3A_90 : i32
        %add3A_92 = arith.constant 0 : i32
        %add3A_93 = arith.addi %add3A_92, %mul3A_91 : i32
        %mul3A_94 = arith.constant 16 : i32
        %mul3A_95 = arith.muli %add3A_93, %mul3A_94 : i32
        %multiple_of3A_96 = tpu.assume_multiple %mul3A_95, 16 : i32
        %add3A_97 = vector.broadcast %multiple_of3A_96 : i32 to vector<16xi32>
        %add3A_98 = arith.addi %iota3A, %add3A_97 : vector<16xi32>
        %get3A_99 = arith.index_cast %multiple_of3A_96 : i32 to index
        %get3A_100 = tpu.vector_load %arg18[%get3A_99] {strides = array<i32>} : memref<4096xi32, #tpu.memory_space<vmem>>, vector<16xi32>,
        %mul3A_101 = arith.constant 7 : i32
        %mul3A_102 = vector.broadcast %mul3A_101 : i32 to vector<16xi32>
        %mul3A_103 = arith.muli %get3A_100, %mul3A_102 : vector<16xi32>
        %gather3A = tpu.vector_load_idx %arg11[%mul3A_103] : memref<35000xf32, #tpu.memory_space<vmem>>[vector<16xi32>], vector<16xf32>,
        %add3A_104 = arith.constant 1 : i32
        %add3A_105 = vector.broadcast %add3A_104 : i32 to vector<16xi32>
        %add3A_106 = arith.addi %mul3A_103, %add3A_105 : vector<16xi32>
        %gather3A_107 = tpu.vector_load_idx %arg11[%add3A_106] : memref<35000xf32, #tpu.memory_space<vmem>>[vector<16xi32>], vector<16xf32>,
        %add3A_108 = arith.constant 2 : i32
        %add3A_109 = vector.broadcast %add3A_108 : i32 to vector<16xi32>
        %add3A_110 = arith.addi %mul3A_103, %add3A_109 : vector<16xi32>
        %gather3A_111 = tpu.vector_load_idx %arg11[%add3A_110] : memref<35000xf32, #tpu.memory_space<vmem>>[vector<16xi32>], vector<16xf32>,
        %add3A_112 = arith.constant 3 : i32
        %add3A_113 = vector.broadcast %add3A_112 : i32 to vector<16xi32>
        %add3A_114 = arith.addi %mul3A_103, %add3A_113 : vector<16xi32>
        %gather3A_115 = tpu.vector_load_idx %arg11[%add3A_114] : memref<35000xf32, #tpu.memory_space<vmem>>[vector<16xi32>], vector<16xf32>,
        %add3A_116 = arith.constant 4 : i32
        %add3A_117 = vector.broadcast %add3A_116 : i32 to vector<16xi32>
        %add3A_118 = arith.addi %mul3A_103, %add3A_117 : vector<16xi32>
        %gather3A_119 = tpu.vector_load_idx %arg11[%add3A_118] : memref<35000xf32, #tpu.memory_space<vmem>>[vector<16xi32>], vector<16xf32>,
        %add3A_120 = arith.constant 5 : i32
        %add3A_121 = vector.broadcast %add3A_120 : i32 to vector<16xi32>
        %add3A_122 = arith.addi %mul3A_103, %add3A_121 : vector<16xi32>
        %gather3A_123 = tpu.vector_load_idx %arg11[%add3A_122] : memref<35000xf32, #tpu.memory_space<vmem>>[vector<16xi32>], vector<16xf32>,
        %add3A_124 = arith.constant 6 : i32
        %add3A_125 = vector.broadcast %add3A_124 : i32 to vector<16xi32>
        %add3A_126 = arith.addi %mul3A_103, %add3A_125 : vector<16xi32>
        %gather3A_127 = tpu.vector_load_idx %arg11[%add3A_126] : memref<35000xf32, #tpu.memory_space<vmem>>[vector<16xi32>], vector<16xf32>,
        %get3A_128 = arith.index_cast %multiple_of3A_96 : i32 to index
        %get3A_129 = tpu.vector_load %arg20[%get3A_128] {strides = array<i32>} : memref<4096xf32, #tpu.memory_space<vmem>>, vector<16xf32>,
        %get3A_130 = arith.index_cast %multiple_of3A_96 : i32 to index
        %get3A_131 = tpu.vector_load %arg21[%get3A_130] {strides = array<i32>} : memref<4096xf32, #tpu.memory_space<vmem>>, vector<16xf32>,
        %get3A_132 = arith.index_cast %multiple_of3A_96 : i32 to index
        %get3A_133 = tpu.vector_load %arg22[%get3A_132] {strides = array<i32>} : memref<4096xf32, #tpu.memory_space<vmem>>, vector<16xf32>,
        %mul3A_134 = arith.mulf %gather3A_111, %get3A_133 : vector<16xf32>
        %mul3A_135 = arith.mulf %gather3A_115, %get3A_131 : vector<16xf32>
        %sub3A_136 = arith.subf %mul3A_134, %mul3A_135 : vector<16xf32>
        %mul3A_137 = arith.mulf %gather3A_115, %get3A_129 : vector<16xf32>
        %mul3A_138 = arith.mulf %gather3A_107, %get3A_133 : vector<16xf32>
        %sub3A_139 = arith.subf %mul3A_137, %mul3A_138 : vector<16xf32>
        %mul3A_140 = arith.mulf %gather3A_107, %get3A_131 : vector<16xf32>
        %mul3A_141 = arith.mulf %gather3A_111, %get3A_129 : vector<16xf32>
        %sub3A_142 = arith.subf %mul3A_140, %mul3A_141 : vector<16xf32>
        %mul3A_143 = arith.mulf %gather3A, %get3A_129 : vector<16xf32>
        %add3A_144 = arith.addf %sub3A_136, %mul3A_143 : vector<16xf32>
        %mul3A_145 = arith.mulf %gather3A, %get3A_131 : vector<16xf32>
        %add3A_146 = arith.addf %sub3A_139, %mul3A_145 : vector<16xf32>
        %mul3A_147 = arith.mulf %gather3A, %get3A_133 : vector<16xf32>
        %add3A_148 = arith.addf %sub3A_142, %mul3A_147 : vector<16xf32>
        %mul3A_149 = arith.mulf %gather3A_111, %add3A_148 : vector<16xf32>
        %mul3A_150 = arith.mulf %gather3A_115, %add3A_146 : vector<16xf32>
        %sub3A_151 = arith.subf %mul3A_149, %mul3A_150 : vector<16xf32>
        %mul3A_152 = arith.mulf %gather3A_115, %add3A_144 : vector<16xf32>
        %mul3A_153 = arith.mulf %gather3A_107, %add3A_148 : vector<16xf32>
        %sub3A_154 = arith.subf %mul3A_152, %mul3A_153 : vector<16xf32>
        %mul3A_155 = arith.mulf %gather3A_107, %add3A_146 : vector<16xf32>
        %mul3A_156 = arith.mulf %gather3A_111, %add3A_144 : vector<16xf32>
        %sub3A_157 = arith.subf %mul3A_155, %mul3A_156 : vector<16xf32>
        %add3A_158 = arith.addf %get3A_129, %sub3A_151 : vector<16xf32>
        %add3A_159 = arith.addf %add3A_158, %sub3A_151 : vector<16xf32>
        %add3A_160 = arith.addf %add3A_159, %gather3A_119 : vector<16xf32>
        %add3A_161 = arith.addf %get3A_131, %sub3A_154 : vector<16xf32>
        %add3A_162 = arith.addf %add3A_161, %sub3A_154 : vector<16xf32>
        %add3A_163 = arith.addf %add3A_162, %gather3A_123 : vector<16xf32>
        %add3A_164 = arith.addf %get3A_133, %sub3A_157 : vector<16xf32>
        %add3A_165 = arith.addf %add3A_164, %sub3A_157 : vector<16xf32>
        %add3A_166 = arith.addf %add3A_165, %gather3A_127 : vector<16xf32>
        %div3A = arith.divf %get3A_1, %add3A_166 : vector<16xf32>
        %mul3A_167 = arith.mulf %add3A_160, %div3A : vector<16xf32>
        %add3A_168 = arith.addf %mul3A_167, %get3A_3 : vector<16xf32>
        tpu.vector_store_idx %arg23[%add3A_98], %add3A_168 : memref<4096xf32, #tpu.memory_space<vmem>>[vector<16xi32>], vector<16xf32>,
        %mul3A_169 = arith.mulf %add3A_163, %div3A : vector<16xf32>
        %add3A_170 = arith.addf %mul3A_169, %get3A_5 : vector<16xf32>
        tpu.vector_store_idx %arg24[%add3A_98], %add3A_170 : memref<4096xf32, #tpu.memory_space<vmem>>[vector<16xi32>], vector<16xf32>,
      }
      %scan3A_88 = arith.constant 256 : i32
      "tpu.region"() ({
        %run_scoped3A = tpu.sem_alloc : memref<!tpu.dma_semaphore, #tpu.memory_space<semaphore_mem>>
        %dma_start3A_89 = tpu.memref_slice %arg9[%multiple_of3A_83] : memref<4000000xf32, #tpu.memory_space<hbm>> -> memref<4096xf32, #tpu.memory_space<hbm>>
        %dma_start3A_90 = tpu.memref_slice %arg9[%multiple_of3A_83] : memref<4000000xf32, #tpu.memory_space<hbm>> -> memref<4096xf32, #tpu.memory_space<hbm>>
        tpu.enqueue_dma source(%arg23 : memref<4096xf32, #tpu.memory_space<vmem>>) target(%dma_start3A_90 : memref<4096xf32, #tpu.memory_space<hbm>>) target_semaphore(%run_scoped3A : memref<!tpu.dma_semaphore, #tpu.memory_space<semaphore_mem>>)
        %dma_wait3A_91 = tpu.memref_slice %arg9[%multiple_of3A_83] : memref<4000000xf32, #tpu.memory_space<hbm>> -> memref<4096xf32, #tpu.memory_space<hbm>>
        %dma_wait3A_92 = tpu.memref_slice %arg9[%multiple_of3A_83] : memref<4000000xf32, #tpu.memory_space<hbm>> -> memref<4096xf32, #tpu.memory_space<hbm>>
        tpu.wait_dma2 semaphore(%run_scoped3A : memref<!tpu.dma_semaphore, #tpu.memory_space<semaphore_mem>>) src(%arg23 : memref<4096xf32, #tpu.memory_space<vmem>>) dst(%dma_wait3A_92 : memref<4096xf32, #tpu.memory_space<hbm>>)
        tpu.yield
      }) : () -> ()
      "tpu.region"() ({
        %run_scoped3A = tpu.sem_alloc : memref<!tpu.dma_semaphore, #tpu.memory_space<semaphore_mem>>
        %dma_start3A_89 = tpu.memref_slice %arg10[%multiple_of3A_83] : memref<4000000xf32, #tpu.memory_space<hbm>> -> memref<4096xf32, #tpu.memory_space<hbm>>
        %dma_start3A_90 = tpu.memref_slice %arg10[%multiple_of3A_83] : memref<4000000xf32, #tpu.memory_space<hbm>> -> memref<4096xf32, #tpu.memory_space<hbm>>
        tpu.enqueue_dma source(%arg24 : memref<4096xf32, #tpu.memory_space<vmem>>) target(%dma_start3A_90 : memref<4096xf32, #tpu.memory_space<hbm>>) target_semaphore(%run_scoped3A : memref<!tpu.dma_semaphore, #tpu.memory_space<semaphore_mem>>)
        %dma_wait3A_91 = tpu.memref_slice %arg10[%multiple_of3A_83] : memref<4000000xf32, #tpu.memory_space<hbm>> -> memref<4096xf32, #tpu.memory_space<hbm>>
        %dma_wait3A_92 = tpu.memref_slice %arg10[%multiple_of3A_83] : memref<4000000xf32, #tpu.memory_space<hbm>> -> memref<4096xf32, #tpu.memory_space<hbm>>
        tpu.wait_dma2 semaphore(%run_scoped3A : memref<!tpu.dma_semaphore, #tpu.memory_space<semaphore_mem>>) src(%arg24 : memref<4096xf32, #tpu.memory_space<vmem>>) dst(%dma_wait3A_92 : memref<4096xf32, #tpu.memory_space<hbm>>)
        tpu.yield
      }) : () -> ()
    }
    %scan3A_31 = arith.constant 16 : i32
    return
  }
}

</mosaic_0001>

<sc_bundles>
// kernel: kernel.3.cloned.1.call-start
scs
__scs_entry_jumppad:
0x0: {  	(pc) =	sbr.rel $0x88, $3  }
0x1: {  	(tag) =	ssettag $0x0;
	lr =	simm.s32 $0x1  }
0x2: {  	[smem:$0x3F9A] =	sst lr;
	_ =	strace $0xD0000000  }
0x3: {  	_ = 	snop  }
0x4: {  	_ = 	snop  }
0x5: {  	_ = 	snop  }
0x6: {  	_ = 	snop  }
0x7: {  	_ = 	snop  }
__scs_overlays_trampoline_lowered:
0x8: {  	[smem:$0x3FA9] =	sst s0  }
0x9: {  	[smem:$0x3FAA] =	sst s1  }
0xa: {  	[smem:$0x3FAB] =	sst s2  }
0xb: {  	[smem:$0x3FAC] =	sst s3  }
0xc: {  	[smem:$0x3FAD] =	sst s4  }
0xd: {  	[smem:$0x3FAE] =	sst s5  }
0xe: {  	[smem:$0x3FAF] =	sst s6  }
0xf: {  	[smem:$0x3FB0] =	sst s7  }
0x10: {  	[smem:$0x3FB1] =	sst s8  }
0x11: {  	[smem:$0x3FB2] =	sst s9;
	s0 =	simm.s32 @!p0 $0x0  }
0x12: {  	s1 =	sld [smem:$0x3F98];
	s0 =	simm.s32 @p0 $0x1  }
0x13: {  	[smem:$0x3FB3] =	sst s0;
	s0 =	simm.s32 @!p1 $0x0  }
0x14: {  	s2 =	sld [smem:$0x3F97];
	s0 =	simm.s32 @p1 $0x1  }
0x15: {  	[smem:$0x3FB4] =	sst s0;
	s0 =	simm.s32 @!p2 $0x0  }
0x16: {  	s3 =	sld [smem:$0x3FDB];
	s0 =	simm.s32 @p2 $0x1  }
0x17: {  	s4 =	simm.s32 $0x1BF5;
	[smem:$0x3FB6] =	sst s0  }
0x18: {  	s0 =	sld [smem:$0x3F99];
	_ =	swait.ge [sflag:s4], $0x0  }
0x19: {  	s7 =	sld [smem:$0x3F9A]  }
0x1a: {  	s8 =	sadd.s32 $0xFFFFE003, lr  }
0x1b: {  	s9 =	sadd.s32 $0xFFFFFEF7, lr;
	s5 =	simm.s32 $0xFFFFFFFF;
	p2 =	slt.u32 s8, $0xFFFFF086  }
0x1c: {  	p1 =	slt.u32 s9, $0xF7A;
	s5 =	simm.s32 @!p2 $0x0  }
0x1d: {  	s5 =	simm.s32 @p1 $0x1;
	p0 =	seq.s32 s7, s2  }
0x1e: {  	s7 =	smul.u32 @!p0 $0xF7A, s2;
	p2 =	seq.s32 @!p0 s5, $0x0  }
0x1f: {  	s9 =	smul.u32 $0xF7A, s1;
	s8 =	simm.s32 @!p0 $0x1BF5;
	p2 =	por !p2, p0  }
0x20: {  	[sflag:s8] =	ssyncset.s32 @!p0 $0xFFFFF086;
	s6 =	sadd.s32 @!p0 s3, s7;
	s7 =	simm.s32 @!p0 $0x108  }
0x21: {  	s3 =	sadd.s32 s3, s9;
	s6 =	sadd.s32 @!p0 $0x88, s6;
	s7 =	simm.s32 @p2 $0x1082  }
0x22: {  	[simem:s7], [sflag:s8] =	dma.local @!p0 [hbm:s6], $0xF7A  }
0x23: {  	s9 =	sor.u32 $0xD0000000, s2;
	s6 =	simm.s32 $0x108;
	_ =	swait.ge @!p0 [sflag:s8], $0x0  }
0x24: {  	s3 =	sadd.s32 $0x88, s3;
	s6 =	simm.s32 @!p1 $0x1082;
	[sflag:s4] =	ssyncset.s32 $0xFFFFF086  }
0x25: {  	[simem:s6], [sflag:s4] =	dma.local [hbm:s3], $0xF7A  }
0x26: {  	[smem:$0x3F9A] =	sst s1;
	(tag) =	ssettag s2;
	_ =	strace s9  }
0x27: {  	s1 =	sld [smem:$0x3FAA]  }
0x28: {  	s2 =	sld [smem:$0x3FAB]  }
0x29: {  	s4 =	sld [smem:$0x3FAD]  }
0x2a: {  	p0 =	seq.s32 s5, $0x0;
	s5 =	sld [smem:$0x3FAE]  }
0x2b: {  	s6 =	sld [smem:$0x3FAF]  }
0x2c: {  	s7 =	sld [smem:$0x3FB0]  }
0x2d: {  	s3 =	simm.s32 $0x108;
	s8 =	sld [smem:$0x3FB1]  }
0x2e: {  	s3 =	simm.s32 @!p0 $0x1082;
	s9 =	sld [smem:$0x3FB2]  }
0x2f: {  	lr =	sadd.s32 s0, s3;
	s0 =	sld [smem:$0x3FA9]  }
0x30: {  	s3 =	sld [smem:$0x3FAC]  }
0x31: {  	[smem:$0x3FB5] =	sst s10  }
0x32: {  	s10 =	sld [smem:$0x3FB3];
	_ =	sdelay $0x3  }
0x33: {  	p0 =	seq.s32 s10, $0x1;
	s10 =	sld [smem:$0x3FB5];
	_ =	sdelay $0x3  }
0x34: {  	[smem:$0x3FB5] =	sst s10  }
0x35: {  	s10 =	sld [smem:$0x3FB4];
	_ =	sdelay $0x3  }
0x36: {  	p1 =	seq.s32 s10, $0x1;
	s10 =	sld [smem:$0x3FB5];
	_ =	sdelay $0x3  }
0x37: {  	[smem:$0x3FB5] =	sst s10  }
0x38: {  	s10 =	sld [smem:$0x3FB6]  }
0x39: {  	_ = 	snop;
	(pc) =	sbr.ind lr, $3  }
0x3a: {  	_ = 	snop  }
0x3b: {  	_ = 	snop  }
0x3c: {  	p2 =	seq.s32 s10, $0x1;
	s10 =	sld [smem:$0x3FB5]  }
0x3d: {  	_ =	shalt  }
0x3e: {  	_ =	shalt  }
0x3f: {  	_ =	shalt  }
0x40: {  	_ =	shalt  }
0x41: {  	_ =	shalt  }
0x42: {  	_ =	shalt  }
0x43: {  	_ =	shalt  }
0x44: {  	_ =	shalt  }
0x45: {  	_ =	shalt  }
0x46: {  	_ =	shalt  }
0x47: {  	_ =	shalt  }
0x48: {  	_ =	shalt  }
0x49: {  	_ =	shalt  }
0x4a: {  	_ =	shalt  }
0x4b: {  	_ =	shalt  }
0x4c: {  	_ =	shalt  }
0x4d: {  	_ =	shalt  }
0x4e: {  	_ =	shalt  }
0x4f: {  	_ =	shalt  }
0x50: {  	_ =	shalt  }
0x51: {  	_ =	shalt  }
0x52: {  	_ =	shalt  }
0x53: {  	_ =	shalt  }
0x54: {  	_ =	shalt  }
0x55: {  	_ =	shalt  }
0x56: {  	_ =	shalt  }
0x57: {  	_ =	shalt  }
0x58: {  	_ =	shalt  }
0x59: {  	_ =	shalt  }
0x5a: {  	_ =	shalt  }
0x5b: {  	_ =	shalt  }
0x5c: {  	_ =	shalt  }
0x5d: {  	_ =	shalt  }
0x5e: {  	_ =	shalt  }
0x5f: {  	_ =	shalt  }
0x60: {  	_ =	shalt  }
0x61: {  	_ =	shalt  }
0x62: {  	_ =	shalt  }
0x63: {  	_ =	shalt  }
0x64: {  	_ =	shalt  }
0x65: {  	_ =	shalt  }
0x66: {  	_ =	shalt  }
0x67: {  	_ =	shalt  }
0x68: {  	_ =	shalt  }
0x69: {  	_ =	shalt  }
0x6a: {  	_ =	shalt  }
0x6b: {  	_ =	shalt  }
0x6c: {  	_ =	shalt  }
0x6d: {  	_ =	shalt  }
0x6e: {  	_ =	shalt  }
0x6f: {  	_ =	shalt  }
0x70: {  	_ =	shalt  }
0x71: {  	_ =	shalt  }
0x72: {  	_ =	shalt  }
0x73: {  	_ =	shalt  }
0x74: {  	_ =	shalt  }
0x75: {  	_ =	shalt  }
0x76: {  	_ =	shalt  }
0x77: {  	_ =	shalt  }
0x78: {  	_ =	shalt  }
0x79: {  	_ =	shalt  }
0x7a: {  	_ =	shalt  }
0x7b: {  	_ =	shalt  }
0x7c: {  	_ =	shalt  }
0x7d: {  	_ =	shalt  }
0x7e: {  	_ =	shalt  }
0x7f: {  	_ =	shalt  }
0x80: {  	_ =	shalt  }
0x81: {  	_ =	shalt  }
0x82: {  	_ =	shalt  }
0x83: {  	_ =	shalt  }
0x84: {  	_ =	shalt  }
0x85: {  	_ =	shalt  }
0x86: {  	_ =	shalt  }
0x87: {  	_ =	shalt  }
.Lfunc_end0:
.L_simem_size_0:
called_computation_lowered:
.L_overlay_start_0:
0x88: {  	s2 =	sld [smem:$0x3FD9]  }
0x89: {  	s3 =	sld [smem:$0x3FFE];
	_ =	sdelay $0x1  }
0x8a: {  	s1 =	srdreg.scid  }
0x8b: {  	s0 =	sand.u32 $0x1, s1  }
0x8c: {  	s17 =	sshll.u32 s0, $0xA;
	s2 =	sadd.s32 s3, s2  }
0x8d: {  	s2 =	sadd.s32 s2, s17  }
0x8e: {  	[smem:$0x3FC1] =	sst s2  }
0x8f: {  	_ = 	snop  }
0x90: {  	s2 =	sld [smem:$0x3FC8]  }
0x91: {  	s18 =	sld [smem:$0x3FC7]  }
0x92: {  	s4 =	sld [smem:$0x3FD0];
	(tm) =	ssettm $0x1  }
0x93: {  	s5 =	sld [smem:$0x3FFB];
	_ =	sdelay $0x3  }
0x94: {  	_ =	strace s5  }
0x95: {  	s5 =	sld [smem:$0x3FFC];
	_ =	sdelay $0x3  }
0x96: {  	_ =	strace s5  }
0x97: {  	s5 =	sld [smem:$0x3FFD];
	_ =	sdelay $0x3  }
0x98: {  	_ =	strace s5  }
0x99: {  	_ =	strace $0x8FFFFFFF  }
0x9a: {  	s19 =	sld [smem:$0x3FDB];
	_ =	sdelay $0x1  }
0x9b: {  	s6 =	simm.s32 $_scs_section_size  }
0x9c: {  	s7 =	simm.s32 $_size__tile_overlayer_lowered;
	s8 =	simm.s32 $_tile_overlayer_lowered  }
0x9d: {  	s22 =	simm.s32 $0x1BFF;
	s21 =	sshll.u32 s8, $0x1;
	s5 =	sadd.s32 s6, s19  }
0x9e: {  	s9 =	simm.s32 $0x0;
	s20 =	sshll.u32 s7, $0x1;
	s7 =	sadd.s32 s21, s5  }
0x9f: {  	[timem:s9], [sflag:s22] =	dma.local [hbm:s7], s20  }
0xa0: {  	_ =	swait.ge [sflag:s22], s20  }
0xa1: {  	s6 =	ssub.s32 $0x0, s20;
	[sflag:s22] =	ssyncset.done $0x0  }
0xa2: {  	[sflag:s22] =	ssyncadd.s32 s6;
	_ =	sdelay $0x1  }
0xa3: {  	s23 =	simm.s32 $0x1B8B  }
0xa4: {  	_ =	swait.ge [sflag:s23], $0x1  }
0xa5: {  	[sflag:s23] =	ssyncset.done $0x0  }
0xa6: {  	s25 =	simm.s32 $0x1B8E;
	s24 =	sld [smem:$0x3FFE];
	[sflag:s23] =	ssyncadd.s32 $0xFFFFFFFF  }
0xa7: {  	s26 =	simm.s32 $execute0_lowered;
	[smem:$0x3FD2] =	sst s25  }
0xa8: {  	s7 =	sshll.u32 s26, $0x1;
	_ =	strace $0x80000046;
	[dreg:$0x1] =	wrdreg $0xFFFFFFFF  }
0xa9: {  	s28 =	simm.s32 $_size_execute0_lowered;
	s5 =	sadd.s32 s5, s7;
	[dreg:$0x0] =	wrdreg $0x0  }
0xaa: {  	s7 =	sshll.u32 s28, $0x1;
	[dreg:$0x2] =	wrdreg s5  }
0xab: {  	[dreg:$0x3] =	wrdreg s7  }
0xac: {  	[dreg:$0x4] =	wrdreg $0xC0  }
0xad: {  	_ =	task [dreg:s9], $0x5FFFF  }
0xae: {  	[dreg:$0x1] =	wrdreg $0xFFFFFFFF  }
0xaf: {  	[dreg:$0x0] =	wrdreg $0x60  }
0xb0: {  	[dreg:$0x2] =	wrdreg s2  }
0xb1: {  	[dreg:$0x3] =	wrdreg s18  }
0xb2: {  	[dreg:$0x4] =	wrdreg s24  }
0xb3: {  	[dreg:$0x5] =	wrdreg s4  }
0xb4: {  	[dreg:$0x6] =	wrdreg $0x9  }
0xb5: {  	_ =	task.clear_ibuf [dreg:s9], $0x7FFFF;
	_ =	strace $0x90000046  }
0xb6: {  	s29 =	simm.s32 $0x9;
	_ =	strace $0x80000048  }
0xb7: {  	_ =	swait.ge [sflag:s29], $0x1  }
0xb8: {  	[sflag:s29] =	ssyncadd.s32 $0xFFFFFFFF  }
0xb9: {  	_ =	strace $0x90000048  }
0xba: {  	_ =	sfence  }
0xbb: {  	s30 =	sld [smem:$0x0];
	_ =	sdelay $0x2  }
0xbc: {  	s31 =	sshll.u32 s1, $0xD;
	s1 =	sshrl.u32 s1, $0x2  }
0xbd: {  	s3 =	sand.u32 $0x4000, s31;
	s1 =	sadd.s32 s1, s30  }
0xbe: {  	s0 =	sor.u32 s3, s0;
	s1 =	sshll.u32 s1, $0x11  }
0xbf: {  	s0 =	sor.u32 s1, s0  }
0xc0: {  	s0 =	sadd.s32 $0x8F2B, s0  }
0xc1: {  	[sflag:s0] =	ssyncadd.remote.s32 $0x1  }
0xc2: {  	_ =	sfence.sel $0xFFFF  }
0xc3: {  	[dreg:$0x0] =	wrdreg $0xFFFFFFFF;
	(pc) =	sbr.abs _section_cstart, $3  }
0xc4: {  	[dreg:$0x1] =	wrdreg $0xFFFFFFFF  }
0xc5: {  	_ =	task.clear_ibuf [dreg:s9], $0x2FFFF;
	_ =	strace $0x9FFFFFFF  }
0xc6: {  	(tm) =	ssettm $0x7FFFFFFF  }
0xc7: {  	_ =	shalt  }
tec
execute0_lowered:
.L_overlay_start_1:
0x0: {  	(tag) =	ssettag $0x1  }
0x1: {  	s1 =	rddreg [dreg:$0x0]  }
0x2: {  	s2 =	rddreg [dreg:$0x1]  }
0x3: {  	s11 =	rddreg [dreg:$0x2]  }
0x4: {  	s4 =	rddreg [dreg:$0x3]  }
0x5: {  	s5 =	simm.s32 $0x0;
	s24 =	srdreg.scid;
	s12 =	stileid.u32  }
0x6: {  	s19 =	simm.s32 $0x3;
	s23 =	simm.s32 $0x1000;
	s29 =	simm.s32 $0xE8E8  }
0x7: {  	s30 =	simm.s32 $0xF8E8;
	s31 =	simm.s32 $0x108E8;
	s20 =	simm.s32 $0x128E8  }
0x8: {  	s21 =	simm.s32 $0x138E8;
	[smem:$0x7FF] =	sst s5;
	s0 =	sadd.s32 $0x400, s11  }
0x9: {  	s8 =	sadd.s32 $0x3EA00, s11;
	s3 =	sshll.u32 s12, $0x1;
	s9 =	sadd.s32 $0x20000, s11  }
0xa: {  	_ =	strace $0x80000047;
	[dreg:$0x5] =	wrdreg s0;
	s0 =	sand.u32 $0x1, s24  }
0xb: {  	s10 =	sadd.s32 $0x1600, s11;
	s6 =	ssub.s32 $0x2, s0;
	s0 =	sor.u32 s0, s3  }
0xc: {  	s11 =	sadd.s32 $0x5D400, s11;
	p0 =	slt.u32 s12, $0x8;
	s7 =	smul.u32 $0x1E84, s0  }
0xd: {  	s24 =	simm.s32 $0x2;
	s25 =	sshrl.u32 s6, $0x1;
	s0 =	smin.u32 s0, $0x10  }
0xe: {  	s3 =	ssub.s32 s6, s25;
	s6 =	simm.s32 $0x1D850;
	s0 =	sadd.s32 s0, s7  }
0xf: {  	s6 =	simm.s32 @!p0 $0x1D840;
	s28 =	smax.u32 s3, $0x1;
	s7 =	simm.s32 $0x0  }
0x10: {  	s12 =	sshll.u32 s0, $0x4;
	s0 =	sshll.u32 s0, $0x1;
	[dreg:$0x8] =	wrdreg s28  }
0x11: {  	s13 =	sadd.s32 s12, s6;
	s26 =	sadd.s32 s1, s0;
	s0 =	sadd.s32 s2, s0  }
0x12: {  	s16 =	sadd.s32 $0x1000, s12;
	s17 =	sadd.s32 $0x2000, s12;
	[dreg:$0x6] =	wrdreg s26  }
0x13: {  	v0 =	vlaneseq.u32;
	s6 =	simm.s32 $0x1;
	[dreg:$0x7] =	wrdreg s0;
	s0 =	simm.s32 $0x118E8  }
.LBB2_1:
0x14: {  	[dreg:$0x9] =	wrdreg s7  }
0x15: {  	s3 =	rddreg [dreg:$0x5]  }
0x16: {  	[tilespmem:s5], [sflag:$0x3] =	stream.linear.gather [hbm4b:s3+s5], $0x88B8, $0x38;
	[tilespmem:$0x148E8] =	vst v63  }
0x17: {  	_ =	swait.ge [sflag:s19], $0x88B8  }
0x18: {  	[sflag:s19] =	ssyncset.done $0x0  }
0x19: {  	[sflag:s19] =	ssyncadd.s32 $0xFFFF7748  }
0x1a: {  	s28 =	simm.s32 $0x88B8;
	s26 =	rddreg [dreg:$0x2]  }
0x1b: {  	[tilespmem:s28], [sflag:$0x3] =	stream.linear.gather [hbm4b:s26+s5], $0x30, $0x38;
	[tilespmem:$0x148E8] =	vst v63  }
0x1c: {  	_ =	swait.ge [sflag:s19], $0x30  }
0x1d: {  	[sflag:s19] =	ssyncset.done $0x0  }
0x1e: {  	[sflag:s19] =	ssyncadd.s32 $0xFFFFFFD0  }
0x1f: {  	v1 =	vld [tilespmem:$0x88B8]  }
0x20: {  	s15 =	simm.s32 $0x88E8;
	s14 =	rddreg [dreg:$0x6];
	v2 =	vld [tilespmem:$0x88C8]  }
0x21: {  	v3 =	vld [tilespmem:$0x88D8];
	[tilespmem:s15], [sflag:$0x3] =	stream.linear.gather [hbm4b:s14+s5], $0x1000, $0x38  }
0x22: {  	_ =	swait.ge [sflag:s19], $0x1000  }
0x23: {  	[sflag:s19] =	ssyncset.done $0x0  }
0x24: {  	s22 =	simm.s32 $0x98E8;
	s18 =	rddreg [dreg:$0x7];
	[sflag:s19] =	ssyncadd.s32 $0xFFFFF000  }
0x25: {  	[tilespmem:s22], [sflag:$0x3] =	stream.linear.gather [hbm4b:s18+s5], $0x1000, $0x38;
	[tilespmem:$0x148E8] =	vst v63  }
0x26: {  	_ =	swait.ge [sflag:s19], $0x1000  }
0x27: {  	[sflag:s19] =	ssyncset.done $0x0  }
0x28: {  	s25 =	simm.s32 $0xA8E8;
	[sflag:s19] =	ssyncadd.s32 $0xFFFFF000  }
0x29: {  	[tilespmem:s25], [sflag:$0x1] =	stream.indirect.gather [hbm4b:s8+s23], $0x1, s22, s23, $0xb8;
	[tilespmem:$0x148E8] =	vst v63  }
0x2a: {  	s26 =	simm.s32 $0xB8E8  }
0x2b: {  	[tilespmem:s26], [sflag:$0x1] =	stream.indirect.gather [hbm4b:s9+s23], $0x1, s22, s23, $0xb8;
	[tilespmem:$0x148E8] =	vst v63  }
0x2c: {  	s28 =	simm.s32 $0xC8E8;
	s26 =	simm.s32 $0x0  }
0x2d: {  	[tilespmem:s28], [sflag:$0x1] =	stream.indirect.gather [hbm4b:s10+s23], $0x1, s22, s23, $0xb8;
	[tilespmem:$0x148E8] =	vst v63  }
.LBB2_2:
0x2e: {  	s7 =	sshll.u32 s26, $0xD  }
0x2f: {  	s3 =	sadd.s32 s7, s16  }
0x30: {  	s3 =	smin.u32 s3, s13  }
0x31: {  	s3 =	sshrl.u32 s3, $0x3  }
0x32: {  	s25 =	simm.s32 $0x0;
	s15 =	simm.s32 $0xD8E8;
	s14 =	sadd.s32 s1, s3  }
0x33: {  	[tilespmem:s15], [sflag:$0x3] =	stream.linear.gather [hbm4b:s14+s25], $0x1000, $0x38;
	[tilespmem:$0x148E8] =	vst v63  }
0x34: {  	_ =	swait.ge [sflag:s19], $0x1000  }
0x35: {  	[sflag:s19] =	ssyncset.done $0x0  }
0x36: {  	s28 =	sadd.s32 s2, s3;
	[sflag:s19] =	ssyncadd.s32 $0xFFFFF000  }
0x37: {  	[tilespmem:s29], [sflag:$0x3] =	stream.linear.gather [hbm4b:s28+s25], $0x1000, $0x38;
	[tilespmem:$0x148E8] =	vst v63  }
0x38: {  	_ =	swait.ge [sflag:s19], $0x1000  }
0x39: {  	[sflag:s19] =	ssyncset.done $0x0  }
0x3a: {  	[sflag:s19] =	ssyncadd.s32 $0xFFFFF000  }
0x3b: {  	[tilespmem:s30], [sflag:$0x2] =	stream.indirect.gather [hbm4b:s8+s23], $0x1, s29, s23, $0xb8;
	[tilespmem:$0x148E8] =	vst v63  }
0x3c: {  	_ = 	snop  }
0x3d: {  	[tilespmem:s31], [sflag:$0x2] =	stream.indirect.gather [hbm4b:s9+s23], $0x1, s29, s23, $0xb8;
	[tilespmem:$0x148E8] =	vst v63  }
0x3e: {  	_ = 	snop  }
0x3f: {  	[tilespmem:s0], [sflag:$0x2] =	stream.indirect.gather [hbm4b:s10+s23], $0x1, s29, s23, $0xb8;
	[tilespmem:$0x148E8] =	vst v63  }
0x40: {  	_ =	swait.ge [sflag:s6], $0x1000  }
0x41: {  	[sflag:s6] =	ssyncset.done $0x0  }
0x42: {  	[sflag:s6] =	ssyncadd.s32 $0xFFFFF000  }
0x43: {  	_ =	swait.ge [sflag:s6], $0x1000  }
0x44: {  	[sflag:s6] =	ssyncset.done $0x0  }
0x45: {  	[sflag:s6] =	ssyncadd.s32 $0xFFFFF000  }
0x46: {  	_ =	swait.ge [sflag:s6], $0x1000  }
0x47: {  	[sflag:s6] =	ssyncset.done $0x0  }
0x48: {  	s14 =	simm.s32 $0x88E8;
	[sflag:s6] =	ssyncadd.s32 $0xFFFFF000  }
0x49: {  	v4 =	vld [tilespmem:s14+$0x0];
	_ =	sdelay $0x4  }
0x4a: {  	v4 =	vmul.u32 $0x7, v4;
	_ =	sdelay $0x1  }
0x4b: {  	v5 =	vadd.s32 $0x3, v4  }
0x4c: {  	s18 =	simm.s32 $0xC8E8;
	v6 =	vadd.s32 $0x1, v4  }
0x4d: {  	s15 =	simm.s32 $0xB8E8;
	v8 =	vld [tilespmem:s18+$0x0];
	v7 =	vadd.s32 $0x2, v4  }
0x4e: {  	s18 =	simm.s32 $0xA8E8;
	v9 =	vld [tilespmem:s15+$0x0]  }
0x4f: {  	v10 =	vld [tilespmem:s18+$0x0]  }
0x50: {  	v5 =	vld.idx.msk [tilespmem:v5+s5+$0x0], $0xffff  }
0x51: {  	v6 =	vld.idx.msk [tilespmem:v6+s5+$0x0], $0xffff  }
0x52: {  	v7 =	vld.idx.msk [tilespmem:v7+s5+$0x0], $0xffff  }
0x53: {  	v11 =	vld.idx.msk [tilespmem:v4+s5+$0x0], $0xffff;
	_ =	sdelay $0x2  }
0x54: {  	v12 =	vmul.f32 v10, v5;
	v13 =	vmul.f32 v8, v6  }
0x55: {  	v14 =	vmul.f32 v9, v5;
	v15 =	vmul.f32 v8, v7  }
0x56: {  	v56 =	vmul.f32 v10, v11  }
0x57: {  	v16 =	vmul.f32 v9, v11;
	v12 =	vsub.f32 v12, v13;
	v14 =	vsub.f32 v15, v14;
	_ =	sdelay $0x1  }
0x58: {  	v57 =	vadd.s32 $0x6, v4;
	v12 =	vadd.f32 v12, v16;
	v13 =	vadd.f32 v14, v56;
	_ =	sdelay $0x1  }
0x59: {  	v58 =	vmul.f32 v12, v6;
	v59 =	vmul.f32 v13, v7;
	_ =	sdelay $0x1  }
0x5a: {  	v14 =	vsub.f32 v58, v59  }
0x5b: {  	v15 =	vld.idx.msk [tilespmem:v57+s5+$0x0], $0xffff  }
0x5c: {  	v16 =	vadd.f32 v14, v8  }
0x5d: {  	v17 =	vmul.f32 v9, v6;
	v18 =	vmul.f32 v10, v7  }
0x5e: {  	v14 =	vadd.f32 v16, v14  }
0x5f: {  	v60 =	vsub.f32 v17, v18;
	v8 =	vmul.f32 v8, v11  }
0x60: {  	v61 =	vadd.f32 v14, v15  }
0x61: {  	v62 =	vadd.s32 $0x4, v4;
	v4 =	vadd.s32 $0x5, v4;
	v8 =	vadd.f32 v8, v60  }
0x62: {  	(erf) = vrcp.f32 v61  }
0x63: {  	v63 =	vmul.f32 v12, v5;
	v7 =	vmul.f32 v8, v7  }
0x64: {  	v5 =	vmul.f32 v13, v5;
	v6 =	vmul.f32 v8, v6  }
0x65: {  	v7 =	vsub.f32 v7, v63  }
0x66: {  	v4 =	vld.idx.msk [tilespmem:v4+s5+$0x0], $0xffff;
	v5 =	vsub.f32 v5, v6  }
0x67: {  	v6 =	vld.idx.msk [tilespmem:v62+s5+$0x0], $0xffff;
	v8 =	vadd.f32 v7, v10  }
0x68: {  	v9 =	vadd.f32 v5, v9;
	_ =	sdelay $0x1  }
0x69: {  	v7 =	vadd.f32 v8, v7;
	v5 =	vadd.f32 v9, v5  }
0x6a: {  	v8 =	vpop (erf)  }
0x6b: {  	v6 =	vadd.f32 v7, v6;
	v4 =	vadd.f32 v5, v4;
	v5 =	vmul.f32 v8, v1;
	_ =	sdelay $0x1  }
0x6c: {  	v6 =	vmul.f32 v5, v6;
	v5 =	vmul.f32 v5, v4;
	v4 =	vor.u32 s25, v0;
	_ =	sdelay $0x2  }
0x6d: {  	s22 =	simm.s32 $0x10;
	s25 =	simm.s32 $0xC8F8;
	v6 =	vadd.f32 v6, v2;
	v5 =	vadd.f32 v5, v3  }
.LBB2_3:
0x6e: {  	s14 =	sadd.s32 $0x10, s14;
	s18 =	sadd.s32 $0x10, s18;
	s15 =	sadd.s32 $0x10, s15  }
0x6f: {  	p0 =	sne.s32 s22, $0xFF0;
	s28 =	smov.u32 s22;
	s22 =	sadd.s32 $0x10, s22;
	[tilespmem:v4+s20+$0x0] =	vst.idx.msk $0xffff, v6  }
0x70: {  	[tilespmem:v4+s21+$0x0] =	vst.idx.msk $0xffff, v5  }
0x71: {  	v4 =	vld [tilespmem:s14+$0x0];
	_ =	sdelay $0x4  }
0x72: {  	v4 =	vmul.u32 $0x7, v4;
	_ =	sdelay $0x1  }
0x73: {  	v5 =	vadd.s32 $0x1, v4;
	v6 =	vadd.s32 $0x2, v4;
	v7 =	vadd.s32 $0x3, v4  }
0x74: {  	v8 =	vadd.s32 $0x4, v4;
	v9 =	vadd.s32 $0x5, v4;
	v10 =	vadd.s32 $0x6, v4  }
0x75: {  	v11 =	vld [tilespmem:s25+$0x0]  }
0x76: {  	v12 =	vld [tilespmem:s15+$0x0]  }
0x77: {  	v13 =	vld [tilespmem:s18+$0x0]  }
0x78: {  	v7 =	vld.idx.msk [tilespmem:v7+s5+$0x0], $0xffff  }
0x79: {  	v5 =	vld.idx.msk [tilespmem:v5+s5+$0x0], $0xffff  }
0x7a: {  	v6 =	vld.idx.msk [tilespmem:v6+s5+$0x0], $0xffff  }
0x7b: {  	v4 =	vld.idx.msk [tilespmem:v4+s5+$0x0], $0xffff;
	_ =	sdelay $0x2  }
0x7c: {  	v14 =	vmul.f32 v12, v7;
	v15 =	vmul.f32 v13, v7  }
0x7d: {  	v16 =	vmul.f32 v11, v5;
	v17 =	vmul.f32 v12, v5  }
0x7e: {  	v18 =	vmul.f32 v11, v6;
	v19 =	vmul.f32 v13, v6  }
0x7f: {  	v15 =	vsub.f32 v15, v16;
	v16 =	vmul.f32 v13, v4;
	v20 =	vmul.f32 v12, v4  }
0x80: {  	v4 =	vmul.f32 v11, v4;
	v14 =	vsub.f32 v18, v14;
	v17 =	vsub.f32 v17, v19  }
0x81: {  	v15 =	vadd.f32 v15, v20  }
0x82: {  	v14 =	vadd.f32 v14, v16;
	v4 =	vadd.f32 v4, v17  }
0x83: {  	v16 =	vmul.f32 v15, v7;
	v15 =	vmul.f32 v15, v5  }
0x84: {  	v17 =	vmul.f32 v4, v6;
	v6 =	vmul.f32 v14, v6  }
0x85: {  	v7 =	vmul.f32 v14, v7;
	v4 =	vmul.f32 v4, v5;
	v10 =	vld.idx.msk [tilespmem:v10+s5+$0x0], $0xffff  }
0x86: {  	v5 =	vsub.f32 v17, v16;
	v6 =	vsub.f32 v15, v6  }
0x87: {  	v4 =	vsub.f32 v7, v4  }
0x88: {  	v7 =	vadd.f32 v5, v13;
	v11 =	vadd.f32 v6, v11  }
0x89: {  	v12 =	vadd.f32 v4, v12  }
0x8a: {  	v5 =	vadd.f32 v7, v5;
	v6 =	vadd.f32 v11, v6  }
0x8b: {  	v4 =	vadd.f32 v12, v4  }
0x8c: {  	v6 =	vadd.f32 v6, v10;
	_ =	sdelay $0x1  }
0x8d: {  	(erf) = vrcp.f32 v6;
	_ =	sdelay $0x2  }
0x8e: {  	v6 =	vld.idx.msk [tilespmem:v8+s5+$0x0], $0xffff  }
0x8f: {  	v7 =	vld.idx.msk [tilespmem:v9+s5+$0x0], $0xffff;
	_ =	sdelay $0x4  }
0x90: {  	v5 =	vadd.f32 v5, v6;
	v6 =	vpop (erf)  }
.Ltmp0:
0x91: {  	v7 =	vadd.f32 v4, v7;
	v4 =	vor.u32 s28, v0;
	v6 =	vmul.f32 v6, v1;
	(pc) =	sbr.rel @p0 .LBB2_3-.Ltmp0, $3  }
0x92: {  	_ = 	snop  }
0x93: {  	v5 =	vmul.f32 v6, v5;
	v7 =	vmul.f32 v6, v7;
	_ =	sdelay $0x1  }
0x94: {  	s25 =	sadd.s32 $0x10, s25;
	v6 =	vadd.f32 v5, v2;
	v5 =	vadd.f32 v7, v3  }
0x95: {  	_ =	sdelay $0x1  }
0x96: {  	s14 =	sadd.s32 s12, s7  }
0x97: {  	s14 =	smin.u32 s14, s13  }
0x98: {  	[tilespmem:v4+s20+$0x0] =	vst.idx.msk $0xffff, v6;
	s14 =	sshrl.u32 s14, $0x3  }
0x99: {  	[tilespmem:v4+s21+$0x0] =	vst.idx.msk $0xffff, v5;
	s15 =	sadd.s32 s4, s14  }
0x9a: {  	[hbm4b:s15+s5] =	stream.linear.scatter [tilespmem:s20], [sflag:$0x3], $0x1000, $0x38;
	[tilespmem:$0x148E8] =	vst v63  }
0x9b: {  	_ =	swait.ge [sflag:s19], $0x1000  }
0x9c: {  	p0 =	seq.s32 s26, $0xF;
	[sflag:s19] =	ssyncset.done $0x0  }
0x9d: {  	s7 =	sadd.s32 @!p0 s7, s17;
	s14 =	sadd.s32 s11, s14;
	[sflag:s19] =	ssyncadd.s32 $0xFFFFF000  }
0x9e: {  	[hbm4b:s14+s5] =	stream.linear.scatter [tilespmem:s21], [sflag:$0x3], $0x1000, $0x38;
	[tilespmem:$0x148E8] =	vst v63  }
0x9f: {  	s7 =	smin.u32 @!p0 s7, s13;
	_ =	swait.ge [sflag:s19], $0x1000  }
0xa0: {  	s18 =	simm.s32 @!p0 $0x88E8;
	s7 =	sshrl.u32 @!p0 s7, $0x3;
	[sflag:s19] =	ssyncset.done $0x0  }
0xa1: {  	s15 =	simm.s32 @!p0 $0x0;
	s14 =	sadd.s32 @!p0 s1, s7;
	[sflag:s19] =	ssyncadd.s32 $0xFFFFF000  }
0xa2: {  	[tilespmem:s18], [sflag:$0x3] =	stream.linear.gather @!p0 [hbm4b:s14+s15], $0x1000, $0x38;
	[tilespmem:$0x148E8] =	vst v63  }
0xa3: {  	s14 =	simm.s32 @!p0 $0x3  }
0xa4: {  	_ =	swait.ge @!p0 [sflag:s14], $0x1000  }
0xa5: {  	[sflag:s14] =	ssyncset.done @!p0 $0x0  }
0xa6: {  	s7 =	sadd.s32 @!p0 s2, s7;
	s18 =	simm.s32 @!p0 $0x98E8;
	[sflag:s14] =	ssyncadd.s32 @!p0 $0xFFFFF000  }
0xa7: {  	[tilespmem:s18], [sflag:$0x3] =	stream.linear.gather @!p0 [hbm4b:s7+s15], $0x1000, $0x38;
	[tilespmem:$0x148E8] =	vst v63  }
0xa8: {  	_ =	swait.ge @!p0 [sflag:s14], $0x1000  }
0xa9: {  	[sflag:s14] =	ssyncset.done @!p0 $0x0  }
0xaa: {  	s7 =	simm.s32 @!p0 $0x1000;
	[sflag:s14] =	ssyncadd.s32 @!p0 $0xFFFFF000;
	s14 =	simm.s32 @!p0 $0xA8E8  }
0xab: {  	[tilespmem:s14], [sflag:$0x1] =	stream.indirect.gather @!p0 [hbm4b:s8+s7], $0x1, s18, s7, $0xb8;
	[tilespmem:$0x148E8] =	vst v63  }
0xac: {  	s14 =	simm.s32 @!p0 $0xB8E8  }
0xad: {  	[tilespmem:s14], [sflag:$0x1] =	stream.indirect.gather @!p0 [hbm4b:s9+s7], $0x1, s18, s7, $0xb8;
	[tilespmem:$0x148E8] =	vst v63  }
0xae: {  	s14 =	simm.s32 @!p0 $0xC8E8  }
0xaf: {  	[tilespmem:s14], [sflag:$0x1] =	stream.indirect.gather @!p0 [hbm4b:s10+s7], $0x1, s18, s7, $0xb8;
	[tilespmem:$0x148E8] =	vst v63  }
0xb0: {  	_ =	swait.ge [sflag:s24], $0x1000  }
0xb1: {  	[sflag:s24] =	ssyncset.done $0x0  }
0xb2: {  	[sflag:s24] =	ssyncadd.s32 $0xFFFFF000  }
0xb3: {  	_ =	swait.ge [sflag:s24], $0x1000  }
0xb4: {  	[sflag:s24] =	ssyncset.done $0x0  }
0xb5: {  	[sflag:s24] =	ssyncadd.s32 $0xFFFFF000  }
0xb6: {  	_ =	swait.ge [sflag:s24], $0x1000  }
0xb7: {  	[sflag:s24] =	ssyncset.done $0x0  }
0xb8: {  	s7 =	simm.s32 $0xD8E8;
	[sflag:s24] =	ssyncadd.s32 $0xFFFFF000  }
0xb9: {  	v4 =	vld [tilespmem:s7+$0x0];
	_ =	sdelay $0x4  }
0xba: {  	v4 =	vmul.u32 $0x7, v4;
	_ =	sdelay $0x1  }
0xbb: {  	v5 =	vadd.s32 $0x3, v4  }
0xbc: {  	s28 =	simm.s32 $0x118E8;
	v6 =	vadd.s32 $0x1, v4  }
0xbd: {  	s14 =	simm.s32 $0x108E8;
	v8 =	vld [tilespmem:s28+$0x0];
	v7 =	vadd.s32 $0x2, v4  }
0xbe: {  	s15 =	simm.s32 $0xF8E8;
	v9 =	vld [tilespmem:s14+$0x0]  }
0xbf: {  	v10 =	vld [tilespmem:s15+$0x0]  }
0xc0: {  	v5 =	vld.idx.msk [tilespmem:v5+s5+$0x0], $0xffff  }
0xc1: {  	v6 =	vld.idx.msk [tilespmem:v6+s5+$0x0], $0xffff  }
0xc2: {  	v7 =	vld.idx.msk [tilespmem:v7+s5+$0x0], $0xffff  }
0xc3: {  	v11 =	vld.idx.msk [tilespmem:v4+s5+$0x0], $0xffff;
	_ =	sdelay $0x2  }
0xc4: {  	v12 =	vmul.f32 v10, v5;
	v13 =	vmul.f32 v8, v6  }
0xc5: {  	v14 =	vmul.f32 v9, v5;
	v15 =	vmul.f32 v8, v7  }
0xc6: {  	v56 =	vmul.f32 v10, v11  }
0xc7: {  	v16 =	vmul.f32 v9, v11;
	v12 =	vsub.f32 v12, v13;
	v14 =	vsub.f32 v15, v14;
	_ =	sdelay $0x1  }
0xc8: {  	v57 =	vadd.s32 $0x6, v4;
	v12 =	vadd.f32 v12, v16;
	v13 =	vadd.f32 v14, v56;
	_ =	sdelay $0x1  }
0xc9: {  	v58 =	vmul.f32 v12, v6;
	v59 =	vmul.f32 v13, v7;
	_ =	sdelay $0x1  }
0xca: {  	v14 =	vsub.f32 v58, v59  }
0xcb: {  	v15 =	vld.idx.msk [tilespmem:v57+s5+$0x0], $0xffff  }
0xcc: {  	v16 =	vadd.f32 v14, v8  }
0xcd: {  	v17 =	vmul.f32 v9, v6;
	v18 =	vmul.f32 v10, v7  }
0xce: {  	v14 =	vadd.f32 v16, v14  }
0xcf: {  	v60 =	vsub.f32 v17, v18;
	v8 =	vmul.f32 v8, v11  }
0xd0: {  	v61 =	vadd.f32 v14, v15  }
0xd1: {  	v62 =	vadd.s32 $0x4, v4;
	v4 =	vadd.s32 $0x5, v4;
	v8 =	vadd.f32 v8, v60  }
0xd2: {  	(erf) = vrcp.f32 v61  }
0xd3: {  	v63 =	vmul.f32 v12, v5;
	v7 =	vmul.f32 v8, v7  }
0xd4: {  	v5 =	vmul.f32 v13, v5;
	v6 =	vmul.f32 v8, v6  }
0xd5: {  	v7 =	vsub.f32 v7, v63  }
0xd6: {  	v4 =	vld.idx.msk [tilespmem:v4+s5+$0x0], $0xffff;
	v5 =	vsub.f32 v5, v6  }
0xd7: {  	v6 =	vld.idx.msk [tilespmem:v62+s5+$0x0], $0xffff;
	v8 =	vadd.f32 v7, v10  }
0xd8: {  	v9 =	vadd.f32 v5, v9;
	_ =	sdelay $0x1  }
0xd9: {  	v7 =	vadd.f32 v8, v7;
	v5 =	vadd.f32 v9, v5  }
0xda: {  	v8 =	vpop (erf)  }
0xdb: {  	v6 =	vadd.f32 v7, v6;
	v4 =	vadd.f32 v5, v4;
	v5 =	vmul.f32 v8, v1  }
0xdc: {  	s22 =	simm.s32 $0x0  }
0xdd: {  	v6 =	vmul.f32 v5, v6;
	v5 =	vmul.f32 v5, v4;
	v4 =	vor.u32 s22, v0;
	_ =	sdelay $0x2  }
0xde: {  	s18 =	simm.s32 $0x10;
	s22 =	simm.s32 $0x118F8;
	v6 =	vadd.f32 v6, v2;
	v5 =	vadd.f32 v5, v3  }
.LBB2_5:
0xdf: {  	s7 =	sadd.s32 $0x10, s7;
	s15 =	sadd.s32 $0x10, s15;
	s14 =	sadd.s32 $0x10, s14  }
0xe0: {  	p0 =	sne.s32 s18, $0xFF0;
	s25 =	smov.u32 s18;
	s18 =	sadd.s32 $0x10, s18;
	[tilespmem:v4+s20+$0x0] =	vst.idx.msk $0xffff, v6  }
0xe1: {  	[tilespmem:v4+s21+$0x0] =	vst.idx.msk $0xffff, v5  }
0xe2: {  	v4 =	vld [tilespmem:s7+$0x0];
	_ =	sdelay $0x4  }
0xe3: {  	v4 =	vmul.u32 $0x7, v4;
	_ =	sdelay $0x1  }
0xe4: {  	v5 =	vadd.s32 $0x1, v4;
	v6 =	vadd.s32 $0x2, v4;
	v7 =	vadd.s32 $0x3, v4  }
0xe5: {  	v8 =	vadd.s32 $0x4, v4;
	v9 =	vadd.s32 $0x5, v4;
	v10 =	vadd.s32 $0x6, v4  }
0xe6: {  	v11 =	vld [tilespmem:s22+$0x0]  }
0xe7: {  	v12 =	vld [tilespmem:s14+$0x0]  }
0xe8: {  	v13 =	vld [tilespmem:s15+$0x0]  }
0xe9: {  	v7 =	vld.idx.msk [tilespmem:v7+s5+$0x0], $0xffff  }
0xea: {  	v5 =	vld.idx.msk [tilespmem:v5+s5+$0x0], $0xffff  }
0xeb: {  	v6 =	vld.idx.msk [tilespmem:v6+s5+$0x0], $0xffff  }
0xec: {  	v4 =	vld.idx.msk [tilespmem:v4+s5+$0x0], $0xffff;
	_ =	sdelay $0x2  }
0xed: {  	v14 =	vmul.f32 v12, v7;
	v15 =	vmul.f32 v13, v7  }
0xee: {  	v16 =	vmul.f32 v11, v5;
	v17 =	vmul.f32 v12, v5  }
0xef: {  	v18 =	vmul.f32 v11, v6;
	v19 =	vmul.f32 v13, v6  }
0xf0: {  	v15 =	vsub.f32 v15, v16;
	v16 =	vmul.f32 v13, v4;
	v20 =	vmul.f32 v12, v4  }
0xf1: {  	v4 =	vmul.f32 v11, v4;
	v14 =	vsub.f32 v18, v14;
	v17 =	vsub.f32 v17, v19  }
0xf2: {  	v15 =	vadd.f32 v15, v20  }
0xf3: {  	v14 =	vadd.f32 v14, v16;
	v4 =	vadd.f32 v4, v17  }
0xf4: {  	v16 =	vmul.f32 v15, v7;
	v15 =	vmul.f32 v15, v5  }
0xf5: {  	v17 =	vmul.f32 v4, v6;
	v6 =	vmul.f32 v14, v6  }
0xf6: {  	v7 =	vmul.f32 v14, v7;
	v4 =	vmul.f32 v4, v5;
	v10 =	vld.idx.msk [tilespmem:v10+s5+$0x0], $0xffff  }
0xf7: {  	v5 =	vsub.f32 v17, v16;
	v6 =	vsub.f32 v15, v6  }
0xf8: {  	v4 =	vsub.f32 v7, v4  }
0xf9: {  	v7 =	vadd.f32 v5, v13;
	v11 =	vadd.f32 v6, v11  }
0xfa: {  	v12 =	vadd.f32 v4, v12  }
0xfb: {  	v5 =	vadd.f32 v7, v5;
	v6 =	vadd.f32 v11, v6  }
0xfc: {  	v4 =	vadd.f32 v12, v4  }
0xfd: {  	v6 =	vadd.f32 v6, v10;
	_ =	sdelay $0x1  }
0xfe: {  	(erf) = vrcp.f32 v6;
	_ =	sdelay $0x2  }
0xff: {  	v6 =	vld.idx.msk [tilespmem:v8+s5+$0x0], $0xffff  }
0x100: {  	v7 =	vld.idx.msk [tilespmem:v9+s5+$0x0], $0xffff;
	_ =	sdelay $0x4  }
0x101: {  	v5 =	vadd.f32 v5, v6;
	v6 =	vpop (erf)  }
.Ltmp1:
0x102: {  	v7 =	vadd.f32 v4, v7;
	v4 =	vor.u32 s25, v0;
	v6 =	vmul.f32 v6, v1;
	(pc) =	sbr.rel @p0 .LBB2_5-.Ltmp1, $3  }
0x103: {  	_ = 	snop  }
0x104: {  	v5 =	vmul.f32 v6, v5;
	v7 =	vmul.f32 v6, v7;
	_ =	sdelay $0x1  }
0x105: {  	s22 =	sadd.s32 $0x10, s22;
	v6 =	vadd.f32 v5, v2;
	v5 =	vadd.f32 v7, v3  }
0x106: {  	_ =	sdelay $0x3  }
0x107: {  	[tilespmem:v4+s20+$0x0] =	vst.idx.msk $0xffff, v6  }
0x108: {  	s7 =	sadd.s32 s4, s3;
	[tilespmem:v4+s21+$0x0] =	vst.idx.msk $0xffff, v5  }
0x109: {  	[hbm4b:s7+s5] =	stream.linear.scatter [tilespmem:s20], [sflag:$0x3], $0x1000, $0x38;
	[tilespmem:$0x148E8] =	vst v63  }
0x10a: {  	s26 =	sadd.s32 $0x1, s26;
	_ =	swait.ge [sflag:s19], $0x1000  }
0x10b: {  	p0 =	sne.s32 s26, $0x10;
	[sflag:s19] =	ssyncset.done $0x0  }
.Ltmp2:
0x10c: {  	s28 =	sadd.s32 s11, s3;
	[sflag:s19] =	ssyncadd.s32 $0xFFFFF000;
	(pc) =	sbr.rel @p0 .LBB2_2-.Ltmp2, $4  }
0x10d: {  	[hbm4b:s28+s5] =	stream.linear.scatter [tilespmem:s21], [sflag:$0x3], $0x1000, $0x38;
	[tilespmem:$0x148E8] =	vst v63  }
0x10e: {  	_ =	swait.ge [sflag:s19], $0x1000  }
0x10f: {  	[sflag:s19] =	ssyncset.done $0x0  }
0x110: {  	[sflag:s19] =	ssyncadd.s32 $0xFFFFF000  }
0x111: {  	s7 =	rddreg [dreg:$0x9]  }
0x112: {  	s3 =	rddreg [dreg:$0x8];
	s7 =	sadd.s32 $0x1, s7  }
0x113: {  	p0 =	sne.s32 s7, s3  }
.Ltmp3:
0x114: {  	_ = 	snop;
	(pc) =	sbr.rel @p0 .LBB2_1-.Ltmp3, $1  }
0x115: {  	_ =	sdelay $0x3  }
0x116: {  	_ =	sfence.sel $0x180000  }
0x117: {  	[bflag:$0x0] =	sbarrier.arrive $0xFFFF  }
0x118: {  	_ =	strace $0x90000047  }
0x119: {  	s0 =	stileid.u32;
	[bflag:$0x2] =	sbarrier.arrive $0xFFFF  }
0x11a: {  	p0 =	sne.s32 s0, $0x0;
	s0 =	rddreg [dreg:$0x4]  }
0x11b: {  	s0 =	sadd.s32 @!p0 $0x100000, s0  }
0x11c: {  	[sflag:s0] =	ssyncadd.tile.s32 @!p0 $0x1;
	_ =	shalt  }
.Lfunc_end2:
_tile_overlayer_lowered:
.L_overlay_start_2:
0x11d: {  	(tag) =	ssettag $0x2  }
0x11e: {  	s0 =	rddreg [dreg:$0x0];
	s2 =	stileid.u32  }
0x11f: {  	s1 =	rddreg [dreg:$0x1];
	p0 =	sne.s32 s2, $0x0  }
0x120: {  	s3 =	rddreg [dreg:$0x2];
	[bflag:$0x3] =	sbarrier.arrive $0xFFFF;
	s2 =	simm.s32 @!p0 $0x1C03  }
0x121: {  	[timem:s3], [sflag:s2] =	dma.local @!p0 [hbm:s0], s1  }
0x122: {  	s0 =	simm.s32 @!p0 $0x3  }
0x123: {  	_ =	swait.ge @!p0 [sflag:s0], s1  }
0x124: {  	s1 =	ssub.s32 @!p0 $0x0, s1;
	[sflag:s0] =	ssyncset.done @!p0 $0x0  }
0x125: {  	[sflag:s0] =	ssyncadd.s32 @!p0 s1  }
0x126: {  	[bflag:$0x3] =	sbarrier.arrive $0xFFFF  }
0x127: {  	_ =	shalt  }

</sc_bundles>
